<compile_context>
chip_gen: v7x
topology: tpu7x:2x2x1
jax: 0.10.2.dev20260603
libtpu: 0.0.44.dev20260713+nightly
codegen_flags: <defaults>
</compile_context>

<pallas_src>
import functools

import jax
import jax.numpy as jnp
from jax import lax
from jax.experimental import pallas as pl
from jax.experimental.pallas import tpu as pltpu
from jax.experimental.pallas import tpu_sc as plsc

B = 8192
INPUT_DIM = 768
LATENT_DIM = 256
NUM_EMB = 8192
HIDDEN = 128
COMMIT = 0.25

BM = 256
KN = 1024
NB = B // BM
NCHUNK = NUM_EMB // KN


def _encode_vq_body(x_ref, w1_ref, b1_ref, w2_ref, b2_ref, cb_ref,
                    latent_ref, idx_ref):
    x = x_ref[...]
    h = jnp.maximum(
        jnp.dot(x, w1_ref[...], preferred_element_type=jnp.float32)
        + b1_ref[...], 0.0)
    latent = jnp.maximum(
        jnp.dot(h, w2_ref[...], preferred_element_type=jnp.float32)
        + b2_ref[...], 0.0)
    latent_ref[...] = latent

    x2 = jnp.sum(latent * latent, axis=1, keepdims=True)

    run_min = jnp.full((BM, 1), jnp.inf, dtype=jnp.float32)
    run_idx = jnp.zeros((BM, 1), dtype=jnp.int32)
    for c in range(NCHUNK):
        cb = cb_ref[pl.ds(c * KN, KN), :]
        c2 = jnp.sum(cb * cb, axis=1)[None, :]
        dot = lax.dot_general(latent, cb, (((1,), (1,)), ((), ())),
                              preferred_element_type=jnp.float32)
        d2 = (x2 + c2) - 2.0 * dot
        s = jnp.sqrt(jnp.maximum(d2, 0.0))
        cmin = jnp.min(s, axis=1, keepdims=True)
        iot = lax.broadcasted_iota(jnp.int32, (BM, KN), 1)
        carg = jnp.min(jnp.where(s == cmin, iot, KN), axis=1,
                       keepdims=True) + c * KN
        upd = cmin < run_min
        run_idx = jnp.where(upd, carg, run_idx)
        run_min = jnp.where(upd, cmin, run_min)
    idx_ref[...] = run_idx


_encode_vq = pl.pallas_call(
    _encode_vq_body,
    grid=(NB,),
    in_specs=[
        pl.BlockSpec((BM, INPUT_DIM), lambda i: (i, 0)),
        pl.BlockSpec((INPUT_DIM, HIDDEN), lambda i: (0, 0)),
        pl.BlockSpec((1, HIDDEN), lambda i: (0, 0)),
        pl.BlockSpec((HIDDEN, LATENT_DIM), lambda i: (0, 0)),
        pl.BlockSpec((1, LATENT_DIM), lambda i: (0, 0)),
        pl.BlockSpec((NUM_EMB, LATENT_DIM), lambda i: (0, 0)),
    ],
    out_specs=[
        pl.BlockSpec((BM, LATENT_DIM), lambda i: (i, 0)),
        pl.BlockSpec((BM, 1), lambda i: (i, 0)),
    ],
    out_shape=[
        jax.ShapeDtypeStruct((B, LATENT_DIM), jnp.float32),
        jax.ShapeDtypeStruct((B, 1), jnp.int32),
    ],
    compiler_params=pltpu.CompilerParams(
        dimension_semantics=("arbitrary",)),
)


_NC = 2
_NS = 16
_NW = _NC * _NS
_BPW = B // _NW


@functools.cache
def _make_sc_gather():
    @functools.partial(
        pl.kernel,
        mesh=plsc.VectorSubcoreMesh(core_axis_name="c", subcore_axis_name="s"),
        out_type=jax.ShapeDtypeStruct((B, LATENT_DIM), jnp.float32),
        scratch_types=[
            pltpu.VMEM((_BPW,), jnp.int32),
            pltpu.VMEM((_BPW, LATENT_DIM), jnp.float32),
            pltpu.SemaphoreType.DMA,
        ],
    )
    def _sc_gather(table_hbm, idx_hbm, out_hbm, idx_v, rows_v, sem):
        wid = lax.axis_index("s") * _NC + lax.axis_index("c")
        base = wid * _BPW
        pltpu.sync_copy(idx_hbm.at[pl.ds(base, _BPW)], idx_v)
        pltpu.async_copy(table_hbm.at[idx_v], rows_v, sem).wait()
        pltpu.sync_copy(rows_v, out_hbm.at[pl.ds(base, _BPW)])

    return _sc_gather


def _decode_body(lat_ref, qr_ref, w3_ref, b3_ref, w4_ref, b4_ref,
                 qm_ref, rec_ref, loss_ref):
    i = pl.program_id(0)
    lat = lat_ref[...]
    diff = qr_ref[...] - lat
    qm = lat + diff
    qm_ref[...] = qm
    h2 = jnp.maximum(
        jnp.dot(qm, w3_ref[...], preferred_element_type=jnp.float32)
        + b3_ref[...], 0.0)
    rec_ref[...] = jax.nn.sigmoid(
        jnp.dot(h2, w4_ref[...], preferred_element_type=jnp.float32)
        + b4_ref[...])
    part = jnp.sum(diff * diff, keepdims=True)

    @pl.when(i == 0)
    def _init():
        loss_ref[...] = jnp.zeros((1, 1), jnp.float32)

    loss_ref[...] += part


_decode = pl.pallas_call(
    _decode_body,
    grid=(NB,),
    in_specs=[
        pl.BlockSpec((BM, LATENT_DIM), lambda i: (i, 0)),
        pl.BlockSpec((BM, LATENT_DIM), lambda i: (i, 0)),
        pl.BlockSpec((LATENT_DIM, HIDDEN), lambda i: (0, 0)),
        pl.BlockSpec((1, HIDDEN), lambda i: (0, 0)),
        pl.BlockSpec((HIDDEN, INPUT_DIM), lambda i: (0, 0)),
        pl.BlockSpec((1, INPUT_DIM), lambda i: (0, 0)),
    ],
    out_specs=[
        pl.BlockSpec((BM, LATENT_DIM), lambda i: (i, 0)),
        pl.BlockSpec((BM, INPUT_DIM), lambda i: (i, 0)),
        pl.BlockSpec((1, 1), lambda i: (0, 0)),
    ],
    out_shape=[
        jax.ShapeDtypeStruct((B, LATENT_DIM), jnp.float32),
        jax.ShapeDtypeStruct((B, INPUT_DIM), jnp.float32),
        jax.ShapeDtypeStruct((1, 1), jnp.float32),
    ],
    compiler_params=pltpu.CompilerParams(
        dimension_semantics=("arbitrary",)),
)


def kernel(x, W1, b1, W2, b2, codebook, W3, b3, W4, b4):
    latent, idx2d = _encode_vq(x, W1, b1.reshape(1, HIDDEN), W2,
                               b2.reshape(1, LATENT_DIM), codebook)
    indices = idx2d.reshape(B)
    quantized_raw = _make_sc_gather()(codebook, indices)
    quantized, reconstructed, loss_sum = _decode(
        latent, quantized_raw, W3, b3.reshape(1, HIDDEN), W4,
        b4.reshape(1, INPUT_DIM))
    quantization_loss = (loss_sum[0, 0] * (1.0 + COMMIT)) / (B * LATENT_DIM)
    return latent, quantized, reconstructed, quantization_loss

# --- scband reference (transcript-rebuilt; emitter-appended) ---
"""Pipeline reference for scband-vqvae-20693152432859 (READ-ONLY COPY).

The authoritative reference and input builder live on the scoring server;
editing this copy changes nothing except your own understanding.
"""

import jax, jax.numpy as jnp
import numpy as np

B = 8192
INPUT_DIM = 768
LATENT_DIM = 256
NUM_EMB = 8192
HIDDEN = 128
COMMIT = 0.25


def setup_inputs(seed: int = 0) -> dict:
    key = jax.random.key(seed)
    ks = jax.random.split(key, 10)
    x = jax.random.normal(ks[0], (B, INPUT_DIM), dtype=jnp.float32)
    # encoder params
    W1 = jax.random.normal(ks[1], (INPUT_DIM, HIDDEN), dtype=jnp.float32) * (1.0 / np.sqrt(INPUT_DIM))
    b1 = jnp.zeros((HIDDEN,), dtype=jnp.float32)
    W2 = jax.random.normal(ks[2], (HIDDEN, LATENT_DIM), dtype=jnp.float32) * (1.0 / np.sqrt(HIDDEN))
    b2 = jnp.zeros((LATENT_DIM,), dtype=jnp.float32)
    # codebook (uniform(-1/K, 1/K) like the torch init)
    codebook = jax.random.uniform(ks[3], (NUM_EMB, LATENT_DIM), dtype=jnp.float32,
                                  minval=-1.0 / NUM_EMB, maxval=1.0 / NUM_EMB)
    # decoder params
    W3 = jax.random.normal(ks[4], (LATENT_DIM, HIDDEN), dtype=jnp.float32) * (1.0 / np.sqrt(LATENT_DIM))
    b3 = jnp.zeros((HIDDEN,), dtype=jnp.float32)
    W4 = jax.random.normal(ks[5], (HIDDEN, INPUT_DIM), dtype=jnp.float32) * (1.0 / np.sqrt(HIDDEN))
    b4 = jnp.zeros((INPUT_DIM,), dtype=jnp.float32)
    return {"x": x, "W1": W1, "b1": b1, "W2": W2, "b2": b2,
            "codebook": codebook, "W3": W3, "b3": b3, "W4": W4, "b4": b4}


def _forward(x, W1, b1, W2, b2, codebook, W3, b3, W4, b4):
    # encoder: Linear -> ReLU -> Identity -> Dropout(0) -> Linear -> ReLU
    h = jax.nn.relu(x @ W1 + b1)
    latent = jax.nn.relu(h @ W2 + b2)
    # vector quantizer
    flat = latent.reshape(-1, LATENT_DIM)
    # cdist p=2: sqrt of squared euclidean distances
    x2 = jnp.sum(flat * flat, axis=1, keepdims=True)           # [B,1]
    c2 = jnp.sum(codebook * codebook, axis=1)[None, :]          # [1,K]
    d2 = jnp.maximum(x2 + c2 - 2.0 * (flat @ codebook.T), 0.0)  # [B,K]
    distances = jnp.sqrt(d2)
    indices = jnp.argmin(distances, axis=1)
    quantized_raw = jnp.take(codebook, indices, axis=0).reshape(latent.shape)
    e_latent_loss = jnp.mean((jax.lax.stop_gradient(quantized_raw) - latent) ** 2)
    q_latent_loss = jnp.mean((quantized_raw - jax.lax.stop_gradient(latent)) ** 2)
    quantization_loss = q_latent_loss + COMMIT * e_latent_loss
    # straight-through estimator
    quantized = latent + jax.lax.stop_gradient(quantized_raw - latent)
    # decoder: Linear -> ReLU -> Identity -> Dropout(0) -> Linear -> Sigmoid
    h2 = jax.nn.relu(quantized @ W3 + b3)
    reconstructed = jax.nn.sigmoid(h2 @ W4 + b4)
    return latent, quantized, reconstructed, quantization_loss


def reference(x, W1, b1, W2, b2, codebook, W3, b3, W4, b4):
    return _forward(x, W1, b1, W2, b2, codebook, W3, b3, W4, b4)

if __name__ == "__main__":
    import jax
    _d = setup_inputs()
    print(jax.jit(kernel)(*tuple(_d.values())))

</pallas_src>

<mosaic_0001>
#map = affine_map<(d0, d1) -> (0, 0)>
#map1 = affine_map<(d0, d1) -> (0)>
module attributes {stable_mosaic.version = 14 : i64} {
  func.func @_sc_gather(%arg0: i32, %arg1: i32, %arg2: memref<8192x256xf32, #tpu.memory_space<hbm>>, %arg3: memref<8192xi32, #tpu.memory_space<hbm>>, %arg4: memref<8192x256xf32, #tpu.memory_space<hbm>>, %arg5: memref<256xi32, #tpu.memory_space<vmem>>, %arg6: memref<256x256xf32, #tpu.memory_space<vmem>>, %arg7: memref<!tpu.dma_semaphore, #tpu.memory_space<semaphore_mem>>) attributes {dimension_semantics = [#tpu.dimension_semantics<core_parallel>, #tpu.dimension_semantics<subcore_parallel>], iteration_bounds = array<i64: 2, 16>, scalar_prefetch = 0 : i64, scratch_operands = 3 : i64, tpu.core_type = #tpu.core_type<sc_vector_subcore>, window_params = [{transform_indices = #map}, {transform_indices = #map1}, {transform_indices = #map}]} {
    %mul3A = arith.constant 2 : i32
    %mul3A_0 = arith.muli %arg1, %mul3A : i32
    %add3A = arith.addi %mul3A_0, %arg0 : i32
    %mul3A_1 = arith.constant 256 : i32
    %mul3A_2 = arith.muli %add3A, %mul3A_1 : i32
    "tpu.region"() ({
      %run_scoped3A = tpu.sem_alloc : memref<!tpu.dma_semaphore, #tpu.memory_space<semaphore_mem>>
      %dma_start3A_7 = tpu.memref_slice %arg3[%mul3A_2] : memref<8192xi32, #tpu.memory_space<hbm>> -> memref<256xi32, #tpu.memory_space<hbm>>
      %dma_start3A_8 = tpu.memref_slice %arg3[%mul3A_2] : memref<8192xi32, #tpu.memory_space<hbm>> -> memref<256xi32, #tpu.memory_space<hbm>>
      tpu.enqueue_dma source(%dma_start3A_8 : memref<256xi32, #tpu.memory_space<hbm>>) target(%arg5 : memref<256xi32, #tpu.memory_space<vmem>>) target_semaphore(%run_scoped3A : memref<!tpu.dma_semaphore, #tpu.memory_space<semaphore_mem>>)
      %dma_wait3A_9 = tpu.memref_slice %arg3[%mul3A_2] : memref<8192xi32, #tpu.memory_space<hbm>> -> memref<256xi32, #tpu.memory_space<hbm>>
      %dma_wait3A_10 = tpu.memref_slice %arg3[%mul3A_2] : memref<8192xi32, #tpu.memory_space<hbm>> -> memref<256xi32, #tpu.memory_space<hbm>>
      tpu.wait_dma2 semaphore(%run_scoped3A : memref<!tpu.dma_semaphore, #tpu.memory_space<semaphore_mem>>) src(%dma_wait3A_10 : memref<256xi32, #tpu.memory_space<hbm>>) dst(%arg5 : memref<256xi32, #tpu.memory_space<vmem>>)
      tpu.yield
    }) : () -> ()
    %dma_start3A = arith.constant 0 : i32
    %dma_start3A_3 = arith.constant 0 : i32
    %dma_start3A_4 = tpu.memref_slice %arg2[%dma_start3A, %dma_start3A_3] : memref<8192x256xf32, #tpu.memory_space<hbm>> -> memref<8192x256xf32, #tpu.memory_space<hbm>>
    tpu.enqueue_indirect_dma source(%dma_start3A_4 : memref<8192x256xf32, #tpu.memory_space<hbm>>) target(%arg6 : memref<256x256xf32, #tpu.memory_space<vmem>>) offsets(%arg5 : memref<256xi32, #tpu.memory_space<vmem>>) semaphore(%arg7 : memref<!tpu.dma_semaphore, #tpu.memory_space<semaphore_mem>>)
    %dma_wait3A = arith.constant 0 : i32
    %dma_wait3A_5 = arith.constant 0 : i32
    %dma_wait3A_6 = tpu.memref_slice %arg2[%dma_wait3A, %dma_wait3A_5] : memref<8192x256xf32, #tpu.memory_space<hbm>> -> memref<8192x256xf32, #tpu.memory_space<hbm>>
    tpu.wait_indirect_dma semaphore(%arg7 : memref<!tpu.dma_semaphore, #tpu.memory_space<semaphore_mem>>) src(%dma_wait3A_6 : memref<8192x256xf32, #tpu.memory_space<hbm>>) dst(%arg6 : memref<256x256xf32, #tpu.memory_space<vmem>>)
    "tpu.region"() ({
      %run_scoped3A = tpu.sem_alloc : memref<!tpu.dma_semaphore, #tpu.memory_space<semaphore_mem>>
      %dma_start3A_7 = arith.constant 0 : i32
      %dma_start3A_8 = tpu.memref_slice %arg4[%mul3A_2, %dma_start3A_7] : memref<8192x256xf32, #tpu.memory_space<hbm>> -> memref<256x256xf32, #tpu.memory_space<hbm>>
      %dma_start3A_9 = arith.constant 0 : i32
      %dma_start3A_10 = tpu.memref_slice %arg4[%mul3A_2, %dma_start3A_9] : memref<8192x256xf32, #tpu.memory_space<hbm>> -> memref<256x256xf32, #tpu.memory_space<hbm>>
      tpu.enqueue_dma source(%arg6 : memref<256x256xf32, #tpu.memory_space<vmem>>) target(%dma_start3A_10 : memref<256x256xf32, #tpu.memory_space<hbm>>) target_semaphore(%run_scoped3A : memref<!tpu.dma_semaphore, #tpu.memory_space<semaphore_mem>>)
      %dma_wait3A_11 = arith.constant 0 : i32
      %dma_wait3A_12 = tpu.memref_slice %arg4[%mul3A_2, %dma_wait3A_11] : memref<8192x256xf32, #tpu.memory_space<hbm>> -> memref<256x256xf32, #tpu.memory_space<hbm>>
      %dma_wait3A_13 = arith.constant 0 : i32
      %dma_wait3A_14 = tpu.memref_slice %arg4[%mul3A_2, %dma_wait3A_13] : memref<8192x256xf32, #tpu.memory_space<hbm>> -> memref<256x256xf32, #tpu.memory_space<hbm>>
      tpu.wait_dma2 semaphore(%run_scoped3A : memref<!tpu.dma_semaphore, #tpu.memory_space<semaphore_mem>>) src(%arg6 : memref<256x256xf32, #tpu.memory_space<vmem>>) dst(%dma_wait3A_14 : memref<256x256xf32, #tpu.memory_space<hbm>>)
      tpu.yield
    }) : () -> ()
    return
  }
}

module attributes {stable_mosaic.version = 14 : i64} {
  func.func @_decode_body(%arg0: i32, %arg1: memref<256x256xf32, #tpu.memory_space<vmem>>, %arg2: memref<256x256xf32, #tpu.memory_space<vmem>>, %arg3: memref<256x128xf32, #tpu.memory_space<vmem>>, %arg4: memref<1x128xf32, #tpu.memory_space<vmem>>, %arg5: memref<128x768xf32, #tpu.memory_space<vmem>>, %arg6: memref<1x768xf32, #tpu.memory_space<vmem>>, %arg7: memref<256x256xf32, #tpu.memory_space<vmem>>, %arg8: memref<256x768xf32, #tpu.memory_space<vmem>>, %arg9: memref<1x1xf32, #tpu.memory_space<vmem>>) attributes {dimension_semantics = [#tpu.dimension_semantics<arbitrary>], iteration_bounds = array<i64: 32>, scalar_prefetch = 0 : i64, scratch_operands = 0 : i64, tpu.core_type = #tpu.core_type<tc>, window_params = [{transform_indices = @transform_0, window_bounds = array<i64: 256, 256>}, {transform_indices = @transform_1, window_bounds = array<i64: 256, 256>}, {pipeline_mode = #tpu.pipeline_mode<synchronous>, transform_indices = @transform_2, window_bounds = array<i64: 256, 128>}, {pipeline_mode = #tpu.pipeline_mode<synchronous>, transform_indices = @transform_3, window_bounds = array<i64: 1, 128>}, {pipeline_mode = #tpu.pipeline_mode<synchronous>, transform_indices = @transform_4, window_bounds = array<i64: 128, 768>}, {pipeline_mode = #tpu.pipeline_mode<synchronous>, transform_indices = @transform_5, window_bounds = array<i64: 1, 768>}, {transform_indices = @transform_6, window_bounds = array<i64: 256, 256>}, {transform_indices = @transform_7, window_bounds = array<i64: 256, 768>}, {pipeline_mode = #tpu.pipeline_mode<synchronous>, transform_indices = @transform_8, window_bounds = array<i64: 1, 1>}]} {
    %get3A = arith.constant 0 : index
    %get3A_0 = arith.constant 0 : index
    %get3A_1 = vector.load %arg1[%get3A, %get3A_0] : memref<256x256xf32, #tpu.memory_space<vmem>>, vector<256x256xf32>
    %get3A_2 = arith.constant 0 : index
    %get3A_3 = arith.constant 0 : index
    %get3A_4 = vector.load %arg2[%get3A_2, %get3A_3] : memref<256x256xf32, #tpu.memory_space<vmem>>, vector<256x256xf32>
    %sub3A = arith.subf %get3A_4, %get3A_1 : vector<256x256xf32>
    %add3A = arith.addf %get3A_1, %sub3A : vector<256x256xf32>
    %swap3A = arith.constant 0 : index
    %swap3A_5 = arith.constant 0 : index
    %swap3A_6 = vector.load %arg7[%swap3A, %swap3A_5] : memref<256x256xf32, #tpu.memory_space<vmem>>, vector<256x256xf32>
    tpu.vector_store %arg7[%swap3A, %swap3A_5], %add3A {strides = array<i32>} : memref<256x256xf32, #tpu.memory_space<vmem>>, vector<256x256xf32>,
    %get3A_7 = arith.constant 0 : index
    %get3A_8 = arith.constant 0 : index
    %get3A_9 = vector.load %arg3[%get3A_7, %get3A_8] : memref<256x128xf32, #tpu.memory_space<vmem>>, vector<256x128xf32>
    %dot_general3A = arith.constant dense<0.000000e+00> : vector<256x128xf32>
    %dot_general3A_10 = tpu.matmul %add3A, %get3A_9, %dot_general3A {dimension_numbers = #tpu.dot_dimension_numbers<[1], [0], [0], [1], [0, 0, 1, 1], [], []>, transpose_lhs_hint = false} : vector<256x256xf32>, vector<256x128xf32>, vector<256x128xf32> -> vector<256x128xf32>
    %get3A_11 = arith.constant 0 : index
    %get3A_12 = arith.constant 0 : index
    %get3A_13 = vector.load %arg4[%get3A_11, %get3A_12] : memref<1x128xf32, #tpu.memory_space<vmem>>, vector<1x128xf32>
    %add3A_14 = vector.broadcast %get3A_13 : vector<1x128xf32> to vector<256x128xf32>
    %add3A_15 = arith.addf %dot_general3A_10, %add3A_14 : vector<256x128xf32>
    %max3A = arith.constant 0.000000e+00 : f32
    %max3A_16 = vector.broadcast %max3A : f32 to vector<256x128xf32>
    %max3A_17 = arith.maximumf %add3A_15, %max3A_16 : vector<256x128xf32>
    %get3A_18 = arith.constant 0 : index
    %get3A_19 = arith.constant 0 : index
    %get3A_20 = vector.load %arg5[%get3A_18, %get3A_19] : memref<128x768xf32, #tpu.memory_space<vmem>>, vector<128x768xf32>
    %dot_general3A_21 = arith.constant dense<0.000000e+00> : vector<256x768xf32>
    %dot_general3A_22 = tpu.matmul %max3A_17, %get3A_20, %dot_general3A_21 {dimension_numbers = #tpu.dot_dimension_numbers<[1], [0], [0], [1], [0, 0, 1, 1], [], []>, transpose_lhs_hint = false} : vector<256x128xf32>, vector<128x768xf32>, vector<256x768xf32> -> vector<256x768xf32>
    %get3A_23 = arith.constant 0 : index
    %get3A_24 = arith.constant 0 : index
    %get3A_25 = vector.load %arg6[%get3A_23, %get3A_24] : memref<1x768xf32, #tpu.memory_space<vmem>>, vector<1x768xf32>
    %add3A_26 = vector.broadcast %get3A_25 : vector<1x768xf32> to vector<256x768xf32>
    %add3A_27 = arith.addf %dot_general3A_22, %add3A_26 : vector<256x768xf32>
    %logistic3A = arith.negf %add3A_27 : vector<256x768xf32>
    %logistic3A_28 = math.exp %logistic3A : vector<256x768xf32>
    %logistic3A_29 = arith.constant 1.000000e+00 : f32
    %logistic3A_30 = vector.broadcast %logistic3A_29 : f32 to vector<256x768xf32>
    %logistic3A_31 = arith.addf %logistic3A_30, %logistic3A_28 : vector<256x768xf32>
    %logistic3A_32 = arith.divf %logistic3A_30, %logistic3A_31 : vector<256x768xf32>
    %swap3A_33 = arith.constant 0 : index
    %swap3A_34 = arith.constant 0 : index
    %swap3A_35 = vector.load %arg8[%swap3A_33, %swap3A_34] : memref<256x768xf32, #tpu.memory_space<vmem>>, vector<256x768xf32>
    tpu.vector_store %arg8[%swap3A_33, %swap3A_34], %logistic3A_32 {strides = array<i32>} : memref<256x768xf32, #tpu.memory_space<vmem>>, vector<256x768xf32>,
    %mul3A = arith.mulf %sub3A, %sub3A : vector<256x256xf32>
    %reduce_sum3A = vector.shape_cast %mul3A : vector<256x256xf32> to vector<1x256x256xf32>
    %reduce_sum3A_36 = arith.constant dense<0.000000e+00> : vector<1xf32>
    %reduce_sum3A_37 = vector.multi_reduction <add>, %reduce_sum3A, %reduce_sum3A_36 [1, 2] : vector<1x256x256xf32> to vector<1xf32>
    %reduce_sum3A_38 = vector.shape_cast %reduce_sum3A_37 : vector<1xf32> to vector<1x1x1xf32>
    %reduce_sum3A_39 = vector.extract %reduce_sum3A_38[0, 0, 0] : f32 from vector<1x1x1xf32>
    %broadcast_in_dim3A = vector.broadcast %reduce_sum3A_39 : f32 to vector<1x1xf32>
    %eq3A = arith.constant 0 : i32
    %eq3A_40 = arith.cmpi eq, %arg0, %eq3A : i32
    %convert_element_type3A = arith.extui %eq3A_40 : i1 to i32
    %cond3A = arith.constant 0 : i32
    %cond3A_41 = arith.cmpi ne, %convert_element_type3A, %cond3A : i32
    scf.if %cond3A_41 {
      %broadcast_in_dim3A_49 = arith.constant 0.000000e+00 : f32
      %broadcast_in_dim3A_50 = vector.broadcast %broadcast_in_dim3A_49 : f32 to vector<1x1xf32>
      %swap3A_51 = arith.constant 0 : index
      %swap3A_52 = arith.constant 0 : index
      %swap3A_53 = vector.load %arg9[%swap3A_51, %swap3A_52] : memref<1x1xf32, #tpu.memory_space<vmem>>, vector<1x1xf32>
      tpu.vector_store %arg9[%swap3A_51, %swap3A_52], %broadcast_in_dim3A_50 {strides = array<i32>} : memref<1x1xf32, #tpu.memory_space<vmem>>, vector<1x1xf32>,
    } else {
    }
    %get3A_42 = arith.constant 0 : index
    %get3A_43 = arith.constant 0 : index
    %get3A_44 = vector.load %arg9[%get3A_42, %get3A_43] : memref<1x1xf32, #tpu.memory_space<vmem>>, vector<1x1xf32>
    %add3A_45 = arith.addf %get3A_44, %broadcast_in_dim3A : vector<1x1xf32>
    %swap3A_46 = arith.constant 0 : index
    %swap3A_47 = arith.constant 0 : index
    %swap3A_48 = vector.load %arg9[%swap3A_46, %swap3A_47] : memref<1x1xf32, #tpu.memory_space<vmem>>, vector<1x1xf32>
    tpu.vector_store %arg9[%swap3A_46, %swap3A_47], %add3A_45 {strides = array<i32>} : memref<1x1xf32, #tpu.memory_space<vmem>>, vector<1x1xf32>,
    return
  }
  func.func @transform_0(%arg0: i32) -> (i32, i32) {
    %c0_i32 = arith.constant 0 : i32
    %c0_i32_0 = arith.constant 0 : i32
    return %arg0, %c0_i32 : i32, i32
  }
  func.func @transform_1(%arg0: i32) -> (i32, i32) {
    %c0_i32 = arith.constant 0 : i32
    %c0_i32_0 = arith.constant 0 : i32
    return %arg0, %c0_i32 : i32, i32
  }
  func.func @transform_2(%arg0: i32) -> (i32, i32) {
    %c0_i32 = arith.constant 0 : i32
    %c0_i32_0 = arith.constant 0 : i32
    %c0_i32_1 = arith.constant 0 : i32
    return %c0_i32, %c0_i32_0 : i32, i32
  }
  func.func @transform_3(%arg0: i32) -> (i32, i32) {
    %c0_i32 = arith.constant 0 : i32
    %c0_i32_0 = arith.constant 0 : i32
    %c0_i32_1 = arith.constant 0 : i32
    return %c0_i32, %c0_i32_0 : i32, i32
  }
  func.func @transform_4(%arg0: i32) -> (i32, i32) {
    %c0_i32 = arith.constant 0 : i32
    %c0_i32_0 = arith.constant 0 : i32
    %c0_i32_1 = arith.constant 0 : i32
    return %c0_i32, %c0_i32_0 : i32, i32
  }
  func.func @transform_5(%arg0: i32) -> (i32, i32) {
    %c0_i32 = arith.constant 0 : i32
    %c0_i32_0 = arith.constant 0 : i32
    %c0_i32_1 = arith.constant 0 : i32
    return %c0_i32, %c0_i32_0 : i32, i32
  }
  func.func @transform_6(%arg0: i32) -> (i32, i32) {
    %c0_i32 = arith.constant 0 : i32
    %c0_i32_0 = arith.constant 0 : i32
    return %arg0, %c0_i32 : i32, i32
  }
  func.func @transform_7(%arg0: i32) -> (i32, i32) {
    %c0_i32 = arith.constant 0 : i32
    %c0_i32_0 = arith.constant 0 : i32
    return %arg0, %c0_i32 : i32, i32
  }
  func.func @transform_8(%arg0: i32) -> (i32, i32) {
    %c0_i32 = arith.constant 0 : i32
    %c0_i32_0 = arith.constant 0 : i32
    %c0_i32_1 = arith.constant 0 : i32
    return %c0_i32, %c0_i32_0 : i32, i32
  }
}

module attributes {stable_mosaic.version = 14 : i64} {
  func.func @_encode_vq_body(%arg0: i32, %arg1: memref<256x768xf32, #tpu.memory_space<vmem>>, %arg2: memref<768x128xf32, #tpu.memory_space<vmem>>, %arg3: memref<1x128xf32, #tpu.memory_space<vmem>>, %arg4: memref<128x256xf32, #tpu.memory_space<vmem>>, %arg5: memref<1x256xf32, #tpu.memory_space<vmem>>, %arg6: memref<8192x256xf32, #tpu.memory_space<vmem>>, %arg7: memref<256x256xf32, #tpu.memory_space<vmem>>, %arg8: memref<256x1xi32, #tpu.memory_space<vmem>>) attributes {dimension_semantics = [#tpu.dimension_semantics<arbitrary>], iteration_bounds = array<i64: 32>, scalar_prefetch = 0 : i64, scratch_operands = 0 : i64, tpu.core_type = #tpu.core_type<tc>, window_params = [{transform_indices = @transform_0, window_bounds = array<i64: 256, 768>}, {pipeline_mode = #tpu.pipeline_mode<synchronous>, transform_indices = @transform_1, window_bounds = array<i64: 768, 128>}, {pipeline_mode = #tpu.pipeline_mode<synchronous>, transform_indices = @transform_2, window_bounds = array<i64: 1, 128>}, {pipeline_mode = #tpu.pipeline_mode<synchronous>, transform_indices = @transform_3, window_bounds = array<i64: 128, 256>}, {pipeline_mode = #tpu.pipeline_mode<synchronous>, transform_indices = @transform_4, window_bounds = array<i64: 1, 256>}, {pipeline_mode = #tpu.pipeline_mode<synchronous>, transform_indices = @transform_5, window_bounds = array<i64: 8192, 256>}, {transform_indices = @transform_6, window_bounds = array<i64: 256, 256>}, {transform_indices = @transform_7, window_bounds = array<i64: 256, 1>}]} {
    %get3A = arith.constant 0 : index
    %get3A_0 = arith.constant 0 : index
    %get3A_1 = vector.load %arg1[%get3A, %get3A_0] : memref<256x768xf32, #tpu.memory_space<vmem>>, vector<256x768xf32>
    %get3A_2 = arith.constant 0 : index
    %get3A_3 = arith.constant 0 : index
    %get3A_4 = vector.load %arg2[%get3A_2, %get3A_3] : memref<768x128xf32, #tpu.memory_space<vmem>>, vector<768x128xf32>
    %dot_general3A = arith.constant dense<0.000000e+00> : vector<256x128xf32>
    %dot_general3A_5 = tpu.matmul %get3A_1, %get3A_4, %dot_general3A {dimension_numbers = #tpu.dot_dimension_numbers<[1], [0], [0], [1], [0, 0, 1, 1], [], []>, transpose_lhs_hint = false} : vector<256x768xf32>, vector<768x128xf32>, vector<256x128xf32> -> vector<256x128xf32>
    %get3A_6 = arith.constant 0 : index
    %get3A_7 = arith.constant 0 : index
    %get3A_8 = vector.load %arg3[%get3A_6, %get3A_7] : memref<1x128xf32, #tpu.memory_space<vmem>>, vector<1x128xf32>
    %add3A = vector.broadcast %get3A_8 : vector<1x128xf32> to vector<256x128xf32>
    %add3A_9 = arith.addf %dot_general3A_5, %add3A : vector<256x128xf32>
    %max3A = arith.constant 0.000000e+00 : f32
    %max3A_10 = vector.broadcast %max3A : f32 to vector<256x128xf32>
    %max3A_11 = arith.maximumf %add3A_9, %max3A_10 : vector<256x128xf32>
    %get3A_12 = arith.constant 0 : index
    %get3A_13 = arith.constant 0 : index
    %get3A_14 = vector.load %arg4[%get3A_12, %get3A_13] : memref<128x256xf32, #tpu.memory_space<vmem>>, vector<128x256xf32>
    %dot_general3A_15 = arith.constant dense<0.000000e+00> : vector<256x256xf32>
    %dot_general3A_16 = tpu.matmul %max3A_11, %get3A_14, %dot_general3A_15 {dimension_numbers = #tpu.dot_dimension_numbers<[1], [0], [0], [1], [0, 0, 1, 1], [], []>, transpose_lhs_hint = false} : vector<256x128xf32>, vector<128x256xf32>, vector<256x256xf32> -> vector<256x256xf32>
    %get3A_17 = arith.constant 0 : index
    %get3A_18 = arith.constant 0 : index
    %get3A_19 = vector.load %arg5[%get3A_17, %get3A_18] : memref<1x256xf32, #tpu.memory_space<vmem>>, vector<1x256xf32>
    %add3A_20 = vector.broadcast %get3A_19 : vector<1x256xf32> to vector<256x256xf32>
    %add3A_21 = arith.addf %dot_general3A_16, %add3A_20 : vector<256x256xf32>
    %max3A_22 = arith.constant 0.000000e+00 : f32
    %max3A_23 = vector.broadcast %max3A_22 : f32 to vector<256x256xf32>
    %max3A_24 = arith.maximumf %add3A_21, %max3A_23 : vector<256x256xf32>
    %swap3A = arith.constant 0 : index
    %swap3A_25 = arith.constant 0 : index
    %swap3A_26 = vector.load %arg7[%swap3A, %swap3A_25] : memref<256x256xf32, #tpu.memory_space<vmem>>, vector<256x256xf32>
    tpu.vector_store %arg7[%swap3A, %swap3A_25], %max3A_24 {strides = array<i32>} : memref<256x256xf32, #tpu.memory_space<vmem>>, vector<256x256xf32>,
    %mul3A = arith.mulf %max3A_24, %max3A_24 : vector<256x256xf32>
    %reduce_sum3A = arith.constant dense<0.000000e+00> : vector<256xf32>
    %reduce_sum3A_27 = vector.multi_reduction <add>, %mul3A, %reduce_sum3A [1] : vector<256x256xf32> to vector<256xf32>
    %broadcast_in_dim3A = vector.shape_cast %reduce_sum3A_27 : vector<256xf32> to vector<256x1xf32>
    %broadcast_in_dim3A_28 = arith.constant 0x7F800000 : f32
    %broadcast_in_dim3A_29 = vector.broadcast %broadcast_in_dim3A_28 : f32 to vector<256x1xf32>
    %broadcast_in_dim3A_30 = arith.constant 0 : i32
    %broadcast_in_dim3A_31 = vector.broadcast %broadcast_in_dim3A_30 : i32 to vector<256x1xi32>
    %get3A_32 = arith.constant 0 : index
    %get3A_33 = arith.constant 0 : index
    %get3A_34 = vector.load %arg6[%get3A_32, %get3A_33] : memref<8192x256xf32, #tpu.memory_space<vmem>>, vector<1024x256xf32>
    %mul3A_35 = arith.mulf %get3A_34, %get3A_34 : vector<1024x256xf32>
    %reduce_sum3A_36 = arith.constant dense<0.000000e+00> : vector<1024xf32>
    %reduce_sum3A_37 = vector.multi_reduction <add>, %mul3A_35, %reduce_sum3A_36 [1] : vector<1024x256xf32> to vector<1024xf32>
    %broadcast_in_dim3A_38 = vector.shape_cast %reduce_sum3A_37 : vector<1024xf32> to vector<1x1024xf32>
    %dot_general3A_39 = arith.constant dense<0.000000e+00> : vector<256x1024xf32>
    %dot_general3A_40 = tpu.matmul %max3A_24, %get3A_34, %dot_general3A_39 {dimension_numbers = #tpu.dot_dimension_numbers<[1], [1], [0], [0], [0, 0, 1, 0], [], []>, transpose_lhs_hint = false} : vector<256x256xf32>, vector<1024x256xf32>, vector<256x1024xf32> -> vector<256x1024xf32>
    %add3A_41 = vector.broadcast %broadcast_in_dim3A : vector<256x1xf32> to vector<256x1024xf32>
    %add3A_42 = vector.broadcast %broadcast_in_dim3A_38 : vector<1x1024xf32> to vector<256x1024xf32>
    %add3A_43 = arith.addf %add3A_41, %add3A_42 : vector<256x1024xf32>
    %mul3A_44 = arith.constant 2.000000e+00 : f32
    %mul3A_45 = vector.broadcast %mul3A_44 : f32 to vector<256x1024xf32>
    %mul3A_46 = arith.mulf %mul3A_45, %dot_general3A_40 : vector<256x1024xf32>
    %sub3A = arith.subf %add3A_43, %mul3A_46 : vector<256x1024xf32>
    %max3A_47 = arith.constant 0.000000e+00 : f32
    %max3A_48 = vector.broadcast %max3A_47 : f32 to vector<256x1024xf32>
    %max3A_49 = arith.maximumf %sub3A, %max3A_48 : vector<256x1024xf32>
    %sqrt3A = math.sqrt %max3A_49 : vector<256x1024xf32>
    %reduce_min3A = arith.constant dense<0x7F800000> : vector<256xf32>
    %reduce_min3A_50 = vector.multi_reduction <minimumf>, %sqrt3A, %reduce_min3A [1] : vector<256x1024xf32> to vector<256xf32>
    %broadcast_in_dim3A_51 = vector.shape_cast %reduce_min3A_50 : vector<256xf32> to vector<256x1xf32>
    %iota3A = tpu.iota {dimensions = array<i32: 1>} : vector<256x1024xi32>
    %eq3A = vector.broadcast %broadcast_in_dim3A_51 : vector<256x1xf32> to vector<256x1024xf32>
    %eq3A_52 = arith.cmpf oeq, %sqrt3A, %eq3A : vector<256x1024xf32>
    %jit3A = arith.constant 1024 : i32
    %broadcast_in_dim3A_53 = vector.broadcast %jit3A : i32 to vector<256x1024xi32>
    %select_n3A = arith.select %eq3A_52, %iota3A, %broadcast_in_dim3A_53 : vector<256x1024xi1>, vector<256x1024xi32>
    %reduce_min3A_54 = arith.constant dense<2147483647> : vector<256xi32>
    %reduce_min3A_55 = vector.multi_reduction <minsi>, %select_n3A, %reduce_min3A_54 [1] : vector<256x1024xi32> to vector<256xi32>
    %broadcast_in_dim3A_56 = vector.shape_cast %reduce_min3A_55 : vector<256xi32> to vector<256x1xi32>
    %add3A_57 = arith.constant 0 : i32
    %add3A_58 = vector.broadcast %add3A_57 : i32 to vector<256x1xi32>
    %add3A_59 = arith.addi %broadcast_in_dim3A_56, %add3A_58 : vector<256x1xi32>
    %lt3A = arith.cmpf olt, %broadcast_in_dim3A_51, %broadcast_in_dim3A_29 : vector<256x1xf32>
    %select_n3A_60 = arith.select %lt3A, %add3A_59, %broadcast_in_dim3A_31 : vector<256x1xi1>, vector<256x1xi32>
    %select_n3A_61 = arith.select %lt3A, %broadcast_in_dim3A_51, %broadcast_in_dim3A_29 : vector<256x1xi1>, vector<256x1xf32>
    %get3A_62 = arith.constant 1024 : index
    %get3A_63 = arith.constant 0 : index
    %get3A_64 = vector.load %arg6[%get3A_62, %get3A_63] : memref<8192x256xf32, #tpu.memory_space<vmem>>, vector<1024x256xf32>
    %mul3A_65 = arith.mulf %get3A_64, %get3A_64 : vector<1024x256xf32>
    %reduce_sum3A_66 = arith.constant dense<0.000000e+00> : vector<1024xf32>
    %reduce_sum3A_67 = vector.multi_reduction <add>, %mul3A_65, %reduce_sum3A_66 [1] : vector<1024x256xf32> to vector<1024xf32>
    %broadcast_in_dim3A_68 = vector.shape_cast %reduce_sum3A_67 : vector<1024xf32> to vector<1x1024xf32>
    %dot_general3A_69 = arith.constant dense<0.000000e+00> : vector<256x1024xf32>
    %dot_general3A_70 = tpu.matmul %max3A_24, %get3A_64, %dot_general3A_69 {dimension_numbers = #tpu.dot_dimension_numbers<[1], [1], [0], [0], [0, 0, 1, 0], [], []>, transpose_lhs_hint = false} : vector<256x256xf32>, vector<1024x256xf32>, vector<256x1024xf32> -> vector<256x1024xf32>
    %add3A_71 = vector.broadcast %broadcast_in_dim3A : vector<256x1xf32> to vector<256x1024xf32>
    %add3A_72 = vector.broadcast %broadcast_in_dim3A_68 : vector<1x1024xf32> to vector<256x1024xf32>
    %add3A_73 = arith.addf %add3A_71, %add3A_72 : vector<256x1024xf32>
    %mul3A_74 = arith.constant 2.000000e+00 : f32
    %mul3A_75 = vector.broadcast %mul3A_74 : f32 to vector<256x1024xf32>
    %mul3A_76 = arith.mulf %mul3A_75, %dot_general3A_70 : vector<256x1024xf32>
    %sub3A_77 = arith.subf %add3A_73, %mul3A_76 : vector<256x1024xf32>
    %max3A_78 = arith.constant 0.000000e+00 : f32
    %max3A_79 = vector.broadcast %max3A_78 : f32 to vector<256x1024xf32>
    %max3A_80 = arith.maximumf %sub3A_77, %max3A_79 : vector<256x1024xf32>
    %sqrt3A_81 = math.sqrt %max3A_80 : vector<256x1024xf32>
    %reduce_min3A_82 = arith.constant dense<0x7F800000> : vector<256xf32>
    %reduce_min3A_83 = vector.multi_reduction <minimumf>, %sqrt3A_81, %reduce_min3A_82 [1] : vector<256x1024xf32> to vector<256xf32>
    %broadcast_in_dim3A_84 = vector.shape_cast %reduce_min3A_83 : vector<256xf32> to vector<256x1xf32>
    %iota3A_85 = tpu.iota {dimensions = array<i32: 1>} : vector<256x1024xi32>
    %eq3A_86 = vector.broadcast %broadcast_in_dim3A_84 : vector<256x1xf32> to vector<256x1024xf32>
    %eq3A_87 = arith.cmpf oeq, %sqrt3A_81, %eq3A_86 : vector<256x1024xf32>
    %jit3A_88 = arith.constant 1024 : i32
    %broadcast_in_dim3A_89 = vector.broadcast %jit3A_88 : i32 to vector<256x1024xi32>
    %select_n3A_90 = arith.select %eq3A_87, %iota3A_85, %broadcast_in_dim3A_89 : vector<256x1024xi1>, vector<256x1024xi32>
    %reduce_min3A_91 = arith.constant dense<2147483647> : vector<256xi32>
    %reduce_min3A_92 = vector.multi_reduction <minsi>, %select_n3A_90, %reduce_min3A_91 [1] : vector<256x1024xi32> to vector<256xi32>
    %broadcast_in_dim3A_93 = vector.shape_cast %reduce_min3A_92 : vector<256xi32> to vector<256x1xi32>
    %add3A_94 = arith.constant 1024 : i32
    %add3A_95 = vector.broadcast %add3A_94 : i32 to vector<256x1xi32>
    %add3A_96 = arith.addi %broadcast_in_dim3A_93, %add3A_95 : vector<256x1xi32>
    %lt3A_97 = arith.cmpf olt, %broadcast_in_dim3A_84, %select_n3A_61 : vector<256x1xf32>
    %select_n3A_98 = arith.select %lt3A_97, %add3A_96, %select_n3A_60 : vector<256x1xi1>, vector<256x1xi32>
    %select_n3A_99 = arith.select %lt3A_97, %broadcast_in_dim3A_84, %select_n3A_61 : vector<256x1xi1>, vector<256x1xf32>
    %get3A_100 = arith.constant 2048 : index
    %get3A_101 = arith.constant 0 : index
    %get3A_102 = vector.load %arg6[%get3A_100, %get3A_101] : memref<8192x256xf32, #tpu.memory_space<vmem>>, vector<1024x256xf32>
    %mul3A_103 = arith.mulf %get3A_102, %get3A_102 : vector<1024x256xf32>
    %reduce_sum3A_104 = arith.constant dense<0.000000e+00> : vector<1024xf32>
    %reduce_sum3A_105 = vector.multi_reduction <add>, %mul3A_103, %reduce_sum3A_104 [1] : vector<1024x256xf32> to vector<1024xf32>
    %broadcast_in_dim3A_106 = vector.shape_cast %reduce_sum3A_105 : vector<1024xf32> to vector<1x1024xf32>
    %dot_general3A_107 = arith.constant dense<0.000000e+00> : vector<256x1024xf32>
    %dot_general3A_108 = tpu.matmul %max3A_24, %get3A_102, %dot_general3A_107 {dimension_numbers = #tpu.dot_dimension_numbers<[1], [1], [0], [0], [0, 0, 1, 0], [], []>, transpose_lhs_hint = false} : vector<256x256xf32>, vector<1024x256xf32>, vector<256x1024xf32> -> vector<256x1024xf32>
    %add3A_109 = vector.broadcast %broadcast_in_dim3A : vector<256x1xf32> to vector<256x1024xf32>
    %add3A_110 = vector.broadcast %broadcast_in_dim3A_106 : vector<1x1024xf32> to vector<256x1024xf32>
    %add3A_111 = arith.addf %add3A_109, %add3A_110 : vector<256x1024xf32>
    %mul3A_112 = arith.constant 2.000000e+00 : f32
    %mul3A_113 = vector.broadcast %mul3A_112 : f32 to vector<256x1024xf32>
    %mul3A_114 = arith.mulf %mul3A_113, %dot_general3A_108 : vector<256x1024xf32>
    %sub3A_115 = arith.subf %add3A_111, %mul3A_114 : vector<256x1024xf32>
    %max3A_116 = arith.constant 0.000000e+00 : f32
    %max3A_117 = vector.broadcast %max3A_116 : f32 to vector<256x1024xf32>
    %max3A_118 = arith.maximumf %sub3A_115, %max3A_117 : vector<256x1024xf32>
    %sqrt3A_119 = math.sqrt %max3A_118 : vector<256x1024xf32>
    %reduce_min3A_120 = arith.constant dense<0x7F800000> : vector<256xf32>
    %reduce_min3A_121 = vector.multi_reduction <minimumf>, %sqrt3A_119, %reduce_min3A_120 [1] : vector<256x1024xf32> to vector<256xf32>
    %broadcast_in_dim3A_122 = vector.shape_cast %reduce_min3A_121 : vector<256xf32> to vector<256x1xf32>
    %iota3A_123 = tpu.iota {dimensions = array<i32: 1>} : vector<256x1024xi32>
    %eq3A_124 = vector.broadcast %broadcast_in_dim3A_122 : vector<256x1xf32> to vector<256x1024xf32>
    %eq3A_125 = arith.cmpf oeq, %sqrt3A_119, %eq3A_124 : vector<256x1024xf32>
    %jit3A_126 = arith.constant 1024 : i32
    %broadcast_in_dim3A_127 = vector.broadcast %jit3A_126 : i32 to vector<256x1024xi32>
    %select_n3A_128 = arith.select %eq3A_125, %iota3A_123, %broadcast_in_dim3A_127 : vector<256x1024xi1>, vector<256x1024xi32>
    %reduce_min3A_129 = arith.constant dense<2147483647> : vector<256xi32>
    %reduce_min3A_130 = vector.multi_reduction <minsi>, %select_n3A_128, %reduce_min3A_129 [1] : vector<256x1024xi32> to vector<256xi32>
    %broadcast_in_dim3A_131 = vector.shape_cast %reduce_min3A_130 : vector<256xi32> to vector<256x1xi32>
    %add3A_132 = arith.constant 2048 : i32
    %add3A_133 = vector.broadcast %add3A_132 : i32 to vector<256x1xi32>
    %add3A_134 = arith.addi %broadcast_in_dim3A_131, %add3A_133 : vector<256x1xi32>
    %lt3A_135 = arith.cmpf olt, %broadcast_in_dim3A_122, %select_n3A_99 : vector<256x1xf32>
    %select_n3A_136 = arith.select %lt3A_135, %add3A_134, %select_n3A_98 : vector<256x1xi1>, vector<256x1xi32>
    %select_n3A_137 = arith.select %lt3A_135, %broadcast_in_dim3A_122, %select_n3A_99 : vector<256x1xi1>, vector<256x1xf32>
    %get3A_138 = arith.constant 3072 : index
    %get3A_139 = arith.constant 0 : index
    %get3A_140 = vector.load %arg6[%get3A_138, %get3A_139] : memref<8192x256xf32, #tpu.memory_space<vmem>>, vector<1024x256xf32>
    %mul3A_141 = arith.mulf %get3A_140, %get3A_140 : vector<1024x256xf32>
    %reduce_sum3A_142 = arith.constant dense<0.000000e+00> : vector<1024xf32>
    %reduce_sum3A_143 = vector.multi_reduction <add>, %mul3A_141, %reduce_sum3A_142 [1] : vector<1024x256xf32> to vector<1024xf32>
    %broadcast_in_dim3A_144 = vector.shape_cast %reduce_sum3A_143 : vector<1024xf32> to vector<1x1024xf32>
    %dot_general3A_145 = arith.constant dense<0.000000e+00> : vector<256x1024xf32>
    %dot_general3A_146 = tpu.matmul %max3A_24, %get3A_140, %dot_general3A_145 {dimension_numbers = #tpu.dot_dimension_numbers<[1], [1], [0], [0], [0, 0, 1, 0], [], []>, transpose_lhs_hint = false} : vector<256x256xf32>, vector<1024x256xf32>, vector<256x1024xf32> -> vector<256x1024xf32>
    %add3A_147 = vector.broadcast %broadcast_in_dim3A : vector<256x1xf32> to vector<256x1024xf32>
    %add3A_148 = vector.broadcast %broadcast_in_dim3A_144 : vector<1x1024xf32> to vector<256x1024xf32>
    %add3A_149 = arith.addf %add3A_147, %add3A_148 : vector<256x1024xf32>
    %mul3A_150 = arith.constant 2.000000e+00 : f32
    %mul3A_151 = vector.broadcast %mul3A_150 : f32 to vector<256x1024xf32>
    %mul3A_152 = arith.mulf %mul3A_151, %dot_general3A_146 : vector<256x1024xf32>
    %sub3A_153 = arith.subf %add3A_149, %mul3A_152 : vector<256x1024xf32>
    %max3A_154 = arith.constant 0.000000e+00 : f32
    %max3A_155 = vector.broadcast %max3A_154 : f32 to vector<256x1024xf32>
    %max3A_156 = arith.maximumf %sub3A_153, %max3A_155 : vector<256x1024xf32>
    %sqrt3A_157 = math.sqrt %max3A_156 : vector<256x1024xf32>
    %reduce_min3A_158 = arith.constant dense<0x7F800000> : vector<256xf32>
    %reduce_min3A_159 = vector.multi_reduction <minimumf>, %sqrt3A_157, %reduce_min3A_158 [1] : vector<256x1024xf32> to vector<256xf32>
    %broadcast_in_dim3A_160 = vector.shape_cast %reduce_min3A_159 : vector<256xf32> to vector<256x1xf32>
    %iota3A_161 = tpu.iota {dimensions = array<i32: 1>} : vector<256x1024xi32>
    %eq3A_162 = vector.broadcast %broadcast_in_dim3A_160 : vector<256x1xf32> to vector<256x1024xf32>
    %eq3A_163 = arith.cmpf oeq, %sqrt3A_157, %eq3A_162 : vector<256x1024xf32>
    %jit3A_164 = arith.constant 1024 : i32
    %broadcast_in_dim3A_165 = vector.broadcast %jit3A_164 : i32 to vector<256x1024xi32>
    %select_n3A_166 = arith.select %eq3A_163, %iota3A_161, %broadcast_in_dim3A_165 : vector<256x1024xi1>, vector<256x1024xi32>
    %reduce_min3A_167 = arith.constant dense<2147483647> : vector<256xi32>
    %reduce_min3A_168 = vector.multi_reduction <minsi>, %select_n3A_166, %reduce_min3A_167 [1] : vector<256x1024xi32> to vector<256xi32>
    %broadcast_in_dim3A_169 = vector.shape_cast %reduce_min3A_168 : vector<256xi32> to vector<256x1xi32>
    %add3A_170 = arith.constant 3072 : i32
    %add3A_171 = vector.broadcast %add3A_170 : i32 to vector<256x1xi32>
    %add3A_172 = arith.addi %broadcast_in_dim3A_169, %add3A_171 : vector<256x1xi32>
    %lt3A_173 = arith.cmpf olt, %broadcast_in_dim3A_160, %select_n3A_137 : vector<256x1xf32>
    %select_n3A_174 = arith.select %lt3A_173, %add3A_172, %select_n3A_136 : vector<256x1xi1>, vector<256x1xi32>
    %select_n3A_175 = arith.select %lt3A_173, %broadcast_in_dim3A_160, %select_n3A_137 : vector<256x1xi1>, vector<256x1xf32>
    %get3A_176 = arith.constant 4096 : index
    %get3A_177 = arith.constant 0 : index
    %get3A_178 = vector.load %arg6[%get3A_176, %get3A_177] : memref<8192x256xf32, #tpu.memory_space<vmem>>, vector<1024x256xf32>
    %mul3A_179 = arith.mulf %get3A_178, %get3A_178 : vector<1024x256xf32>
    %reduce_sum3A_180 = arith.constant dense<0.000000e+00> : vector<1024xf32>
    %reduce_sum3A_181 = vector.multi_reduction <add>, %mul3A_179, %reduce_sum3A_180 [1] : vector<1024x256xf32> to vector<1024xf32>
    %broadcast_in_dim3A_182 = vector.shape_cast %reduce_sum3A_181 : vector<1024xf32> to vector<1x1024xf32>
    %dot_general3A_183 = arith.constant dense<0.000000e+00> : vector<256x1024xf32>
    %dot_general3A_184 = tpu.matmul %max3A_24, %get3A_178, %dot_general3A_183 {dimension_numbers = #tpu.dot_dimension_numbers<[1], [1], [0], [0], [0, 0, 1, 0], [], []>, transpose_lhs_hint = false} : vector<256x256xf32>, vector<1024x256xf32>, vector<256x1024xf32> -> vector<256x1024xf32>
    %add3A_185 = vector.broadcast %broadcast_in_dim3A : vector<256x1xf32> to vector<256x1024xf32>
    %add3A_186 = vector.broadcast %broadcast_in_dim3A_182 : vector<1x1024xf32> to vector<256x1024xf32>
    %add3A_187 = arith.addf %add3A_185, %add3A_186 : vector<256x1024xf32>
    %mul3A_188 = arith.constant 2.000000e+00 : f32
    %mul3A_189 = vector.broadcast %mul3A_188 : f32 to vector<256x1024xf32>
    %mul3A_190 = arith.mulf %mul3A_189, %dot_general3A_184 : vector<256x1024xf32>
    %sub3A_191 = arith.subf %add3A_187, %mul3A_190 : vector<256x1024xf32>
    %max3A_192 = arith.constant 0.000000e+00 : f32
    %max3A_193 = vector.broadcast %max3A_192 : f32 to vector<256x1024xf32>
    %max3A_194 = arith.maximumf %sub3A_191, %max3A_193 : vector<256x1024xf32>
    %sqrt3A_195 = math.sqrt %max3A_194 : vector<256x1024xf32>
    %reduce_min3A_196 = arith.constant dense<0x7F800000> : vector<256xf32>
    %reduce_min3A_197 = vector.multi_reduction <minimumf>, %sqrt3A_195, %reduce_min3A_196 [1] : vector<256x1024xf32> to vector<256xf32>
    %broadcast_in_dim3A_198 = vector.shape_cast %reduce_min3A_197 : vector<256xf32> to vector<256x1xf32>
    %iota3A_199 = tpu.iota {dimensions = array<i32: 1>} : vector<256x1024xi32>
    %eq3A_200 = vector.broadcast %broadcast_in_dim3A_198 : vector<256x1xf32> to vector<256x1024xf32>
    %eq3A_201 = arith.cmpf oeq, %sqrt3A_195, %eq3A_200 : vector<256x1024xf32>
    %jit3A_202 = arith.constant 1024 : i32
    %broadcast_in_dim3A_203 = vector.broadcast %jit3A_202 : i32 to vector<256x1024xi32>
    %select_n3A_204 = arith.select %eq3A_201, %iota3A_199, %broadcast_in_dim3A_203 : vector<256x1024xi1>, vector<256x1024xi32>
    %reduce_min3A_205 = arith.constant dense<2147483647> : vector<256xi32>
    %reduce_min3A_206 = vector.multi_reduction <minsi>, %select_n3A_204, %reduce_min3A_205 [1] : vector<256x1024xi32> to vector<256xi32>
    %broadcast_in_dim3A_207 = vector.shape_cast %reduce_min3A_206 : vector<256xi32> to vector<256x1xi32>
    %add3A_208 = arith.constant 4096 : i32
    %add3A_209 = vector.broadcast %add3A_208 : i32 to vector<256x1xi32>
    %add3A_210 = arith.addi %broadcast_in_dim3A_207, %add3A_209 : vector<256x1xi32>
    %lt3A_211 = arith.cmpf olt, %broadcast_in_dim3A_198, %select_n3A_175 : vector<256x1xf32>
    %select_n3A_212 = arith.select %lt3A_211, %add3A_210, %select_n3A_174 : vector<256x1xi1>, vector<256x1xi32>
    %select_n3A_213 = arith.select %lt3A_211, %broadcast_in_dim3A_198, %select_n3A_175 : vector<256x1xi1>, vector<256x1xf32>
    %get3A_214 = arith.constant 5120 : index
    %get3A_215 = arith.constant 0 : index
    %get3A_216 = vector.load %arg6[%get3A_214, %get3A_215] : memref<8192x256xf32, #tpu.memory_space<vmem>>, vector<1024x256xf32>
    %mul3A_217 = arith.mulf %get3A_216, %get3A_216 : vector<1024x256xf32>
    %reduce_sum3A_218 = arith.constant dense<0.000000e+00> : vector<1024xf32>
    %reduce_sum3A_219 = vector.multi_reduction <add>, %mul3A_217, %reduce_sum3A_218 [1] : vector<1024x256xf32> to vector<1024xf32>
    %broadcast_in_dim3A_220 = vector.shape_cast %reduce_sum3A_219 : vector<1024xf32> to vector<1x1024xf32>
    %dot_general3A_221 = arith.constant dense<0.000000e+00> : vector<256x1024xf32>
    %dot_general3A_222 = tpu.matmul %max3A_24, %get3A_216, %dot_general3A_221 {dimension_numbers = #tpu.dot_dimension_numbers<[1], [1], [0], [0], [0, 0, 1, 0], [], []>, transpose_lhs_hint = false} : vector<256x256xf32>, vector<1024x256xf32>, vector<256x1024xf32> -> vector<256x1024xf32>
    %add3A_223 = vector.broadcast %broadcast_in_dim3A : vector<256x1xf32> to vector<256x1024xf32>
    %add3A_224 = vector.broadcast %broadcast_in_dim3A_220 : vector<1x1024xf32> to vector<256x1024xf32>
    %add3A_225 = arith.addf %add3A_223, %add3A_224 : vector<256x1024xf32>
    %mul3A_226 = arith.constant 2.000000e+00 : f32
    %mul3A_227 = vector.broadcast %mul3A_226 : f32 to vector<256x1024xf32>
    %mul3A_228 = arith.mulf %mul3A_227, %dot_general3A_222 : vector<256x1024xf32>
    %sub3A_229 = arith.subf %add3A_225, %mul3A_228 : vector<256x1024xf32>
    %max3A_230 = arith.constant 0.000000e+00 : f32
    %max3A_231 = vector.broadcast %max3A_230 : f32 to vector<256x1024xf32>
    %max3A_232 = arith.maximumf %sub3A_229, %max3A_231 : vector<256x1024xf32>
    %sqrt3A_233 = math.sqrt %max3A_232 : vector<256x1024xf32>
    %reduce_min3A_234 = arith.constant dense<0x7F800000> : vector<256xf32>
    %reduce_min3A_235 = vector.multi_reduction <minimumf>, %sqrt3A_233, %reduce_min3A_234 [1] : vector<256x1024xf32> to vector<256xf32>
    %broadcast_in_dim3A_236 = vector.shape_cast %reduce_min3A_235 : vector<256xf32> to vector<256x1xf32>
    %iota3A_237 = tpu.iota {dimensions = array<i32: 1>} : vector<256x1024xi32>
    %eq3A_238 = vector.broadcast %broadcast_in_dim3A_236 : vector<256x1xf32> to vector<256x1024xf32>
    %eq3A_239 = arith.cmpf oeq, %sqrt3A_233, %eq3A_238 : vector<256x1024xf32>
    %jit3A_240 = arith.constant 1024 : i32
    %broadcast_in_dim3A_241 = vector.broadcast %jit3A_240 : i32 to vector<256x1024xi32>
    %select_n3A_242 = arith.select %eq3A_239, %iota3A_237, %broadcast_in_dim3A_241 : vector<256x1024xi1>, vector<256x1024xi32>
    %reduce_min3A_243 = arith.constant dense<2147483647> : vector<256xi32>
    %reduce_min3A_244 = vector.multi_reduction <minsi>, %select_n3A_242, %reduce_min3A_243 [1] : vector<256x1024xi32> to vector<256xi32>
    %broadcast_in_dim3A_245 = vector.shape_cast %reduce_min3A_244 : vector<256xi32> to vector<256x1xi32>
    %add3A_246 = arith.constant 5120 : i32
    %add3A_247 = vector.broadcast %add3A_246 : i32 to vector<256x1xi32>
    %add3A_248 = arith.addi %broadcast_in_dim3A_245, %add3A_247 : vector<256x1xi32>
    %lt3A_249 = arith.cmpf olt, %broadcast_in_dim3A_236, %select_n3A_213 : vector<256x1xf32>
    %select_n3A_250 = arith.select %lt3A_249, %add3A_248, %select_n3A_212 : vector<256x1xi1>, vector<256x1xi32>
    %select_n3A_251 = arith.select %lt3A_249, %broadcast_in_dim3A_236, %select_n3A_213 : vector<256x1xi1>, vector<256x1xf32>
    %get3A_252 = arith.constant 6144 : index
    %get3A_253 = arith.constant 0 : index
    %get3A_254 = vector.load %arg6[%get3A_252, %get3A_253] : memref<8192x256xf32, #tpu.memory_space<vmem>>, vector<1024x256xf32>
    %mul3A_255 = arith.mulf %get3A_254, %get3A_254 : vector<1024x256xf32>
    %reduce_sum3A_256 = arith.constant dense<0.000000e+00> : vector<1024xf32>
    %reduce_sum3A_257 = vector.multi_reduction <add>, %mul3A_255, %reduce_sum3A_256 [1] : vector<1024x256xf32> to vector<1024xf32>
    %broadcast_in_dim3A_258 = vector.shape_cast %reduce_sum3A_257 : vector<1024xf32> to vector<1x1024xf32>
    %dot_general3A_259 = arith.constant dense<0.000000e+00> : vector<256x1024xf32>
    %dot_general3A_260 = tpu.matmul %max3A_24, %get3A_254, %dot_general3A_259 {dimension_numbers = #tpu.dot_dimension_numbers<[1], [1], [0], [0], [0, 0, 1, 0], [], []>, transpose_lhs_hint = false} : vector<256x256xf32>, vector<1024x256xf32>, vector<256x1024xf32> -> vector<256x1024xf32>
    %add3A_261 = vector.broadcast %broadcast_in_dim3A : vector<256x1xf32> to vector<256x1024xf32>
    %add3A_262 = vector.broadcast %broadcast_in_dim3A_258 : vector<1x1024xf32> to vector<256x1024xf32>
    %add3A_263 = arith.addf %add3A_261, %add3A_262 : vector<256x1024xf32>
    %mul3A_264 = arith.constant 2.000000e+00 : f32
    %mul3A_265 = vector.broadcast %mul3A_264 : f32 to vector<256x1024xf32>
    %mul3A_266 = arith.mulf %mul3A_265, %dot_general3A_260 : vector<256x1024xf32>
    %sub3A_267 = arith.subf %add3A_263, %mul3A_266 : vector<256x1024xf32>
    %max3A_268 = arith.constant 0.000000e+00 : f32
    %max3A_269 = vector.broadcast %max3A_268 : f32 to vector<256x1024xf32>
    %max3A_270 = arith.maximumf %sub3A_267, %max3A_269 : vector<256x1024xf32>
    %sqrt3A_271 = math.sqrt %max3A_270 : vector<256x1024xf32>
    %reduce_min3A_272 = arith.constant dense<0x7F800000> : vector<256xf32>
    %reduce_min3A_273 = vector.multi_reduction <minimumf>, %sqrt3A_271, %reduce_min3A_272 [1] : vector<256x1024xf32> to vector<256xf32>
    %broadcast_in_dim3A_274 = vector.shape_cast %reduce_min3A_273 : vector<256xf32> to vector<256x1xf32>
    %iota3A_275 = tpu.iota {dimensions = array<i32: 1>} : vector<256x1024xi32>
    %eq3A_276 = vector.broadcast %broadcast_in_dim3A_274 : vector<256x1xf32> to vector<256x1024xf32>
    %eq3A_277 = arith.cmpf oeq, %sqrt3A_271, %eq3A_276 : vector<256x1024xf32>
    %jit3A_278 = arith.constant 1024 : i32
    %broadcast_in_dim3A_279 = vector.broadcast %jit3A_278 : i32 to vector<256x1024xi32>
    %select_n3A_280 = arith.select %eq3A_277, %iota3A_275, %broadcast_in_dim3A_279 : vector<256x1024xi1>, vector<256x1024xi32>
    %reduce_min3A_281 = arith.constant dense<2147483647> : vector<256xi32>
    %reduce_min3A_282 = vector.multi_reduction <minsi>, %select_n3A_280, %reduce_min3A_281 [1] : vector<256x1024xi32> to vector<256xi32>
    %broadcast_in_dim3A_283 = vector.shape_cast %reduce_min3A_282 : vector<256xi32> to vector<256x1xi32>
    %add3A_284 = arith.constant 6144 : i32
    %add3A_285 = vector.broadcast %add3A_284 : i32 to vector<256x1xi32>
    %add3A_286 = arith.addi %broadcast_in_dim3A_283, %add3A_285 : vector<256x1xi32>
    %lt3A_287 = arith.cmpf olt, %broadcast_in_dim3A_274, %select_n3A_251 : vector<256x1xf32>
    %select_n3A_288 = arith.select %lt3A_287, %add3A_286, %select_n3A_250 : vector<256x1xi1>, vector<256x1xi32>
    %select_n3A_289 = arith.select %lt3A_287, %broadcast_in_dim3A_274, %select_n3A_251 : vector<256x1xi1>, vector<256x1xf32>
    %get3A_290 = arith.constant 7168 : index
    %get3A_291 = arith.constant 0 : index
    %get3A_292 = vector.load %arg6[%get3A_290, %get3A_291] : memref<8192x256xf32, #tpu.memory_space<vmem>>, vector<1024x256xf32>
    %mul3A_293 = arith.mulf %get3A_292, %get3A_292 : vector<1024x256xf32>
    %reduce_sum3A_294 = arith.constant dense<0.000000e+00> : vector<1024xf32>
    %reduce_sum3A_295 = vector.multi_reduction <add>, %mul3A_293, %reduce_sum3A_294 [1] : vector<1024x256xf32> to vector<1024xf32>
    %broadcast_in_dim3A_296 = vector.shape_cast %reduce_sum3A_295 : vector<1024xf32> to vector<1x1024xf32>
    %dot_general3A_297 = arith.constant dense<0.000000e+00> : vector<256x1024xf32>
    %dot_general3A_298 = tpu.matmul %max3A_24, %get3A_292, %dot_general3A_297 {dimension_numbers = #tpu.dot_dimension_numbers<[1], [1], [0], [0], [0, 0, 1, 0], [], []>, transpose_lhs_hint = false} : vector<256x256xf32>, vector<1024x256xf32>, vector<256x1024xf32> -> vector<256x1024xf32>
    %add3A_299 = vector.broadcast %broadcast_in_dim3A : vector<256x1xf32> to vector<256x1024xf32>
    %add3A_300 = vector.broadcast %broadcast_in_dim3A_296 : vector<1x1024xf32> to vector<256x1024xf32>
    %add3A_301 = arith.addf %add3A_299, %add3A_300 : vector<256x1024xf32>
    %mul3A_302 = arith.constant 2.000000e+00 : f32
    %mul3A_303 = vector.broadcast %mul3A_302 : f32 to vector<256x1024xf32>
    %mul3A_304 = arith.mulf %mul3A_303, %dot_general3A_298 : vector<256x1024xf32>
    %sub3A_305 = arith.subf %add3A_301, %mul3A_304 : vector<256x1024xf32>
    %max3A_306 = arith.constant 0.000000e+00 : f32
    %max3A_307 = vector.broadcast %max3A_306 : f32 to vector<256x1024xf32>
    %max3A_308 = arith.maximumf %sub3A_305, %max3A_307 : vector<256x1024xf32>
    %sqrt3A_309 = math.sqrt %max3A_308 : vector<256x1024xf32>
    %reduce_min3A_310 = arith.constant dense<0x7F800000> : vector<256xf32>
    %reduce_min3A_311 = vector.multi_reduction <minimumf>, %sqrt3A_309, %reduce_min3A_310 [1] : vector<256x1024xf32> to vector<256xf32>
    %broadcast_in_dim3A_312 = vector.shape_cast %reduce_min3A_311 : vector<256xf32> to vector<256x1xf32>
    %iota3A_313 = tpu.iota {dimensions = array<i32: 1>} : vector<256x1024xi32>
    %eq3A_314 = vector.broadcast %broadcast_in_dim3A_312 : vector<256x1xf32> to vector<256x1024xf32>
    %eq3A_315 = arith.cmpf oeq, %sqrt3A_309, %eq3A_314 : vector<256x1024xf32>
    %jit3A_316 = arith.constant 1024 : i32
    %broadcast_in_dim3A_317 = vector.broadcast %jit3A_316 : i32 to vector<256x1024xi32>
    %select_n3A_318 = arith.select %eq3A_315, %iota3A_313, %broadcast_in_dim3A_317 : vector<256x1024xi1>, vector<256x1024xi32>
    %reduce_min3A_319 = arith.constant dense<2147483647> : vector<256xi32>
    %reduce_min3A_320 = vector.multi_reduction <minsi>, %select_n3A_318, %reduce_min3A_319 [1] : vector<256x1024xi32> to vector<256xi32>
    %broadcast_in_dim3A_321 = vector.shape_cast %reduce_min3A_320 : vector<256xi32> to vector<256x1xi32>
    %add3A_322 = arith.constant 7168 : i32
    %add3A_323 = vector.broadcast %add3A_322 : i32 to vector<256x1xi32>
    %add3A_324 = arith.addi %broadcast_in_dim3A_321, %add3A_323 : vector<256x1xi32>
    %lt3A_325 = arith.cmpf olt, %broadcast_in_dim3A_312, %select_n3A_289 : vector<256x1xf32>
    %select_n3A_326 = arith.select %lt3A_325, %add3A_324, %select_n3A_288 : vector<256x1xi1>, vector<256x1xi32>
    %swap3A_327 = arith.constant 0 : index
    %swap3A_328 = arith.constant 0 : index
    %swap3A_329 = vector.load %arg8[%swap3A_327, %swap3A_328] : memref<256x1xi32, #tpu.memory_space<vmem>>, vector<256x1xi32>
    tpu.vector_store %arg8[%swap3A_327, %swap3A_328], %select_n3A_326 {strides = array<i32>} : memref<256x1xi32, #tpu.memory_space<vmem>>, vector<256x1xi32>,
    return
  }
  func.func @transform_0(%arg0: i32) -> (i32, i32) {
    %c0_i32 = arith.constant 0 : i32
    %c0_i32_0 = arith.constant 0 : i32
    return %arg0, %c0_i32 : i32, i32
  }
  func.func @transform_1(%arg0: i32) -> (i32, i32) {
    %c0_i32 = arith.constant 0 : i32
    %c0_i32_0 = arith.constant 0 : i32
    %c0_i32_1 = arith.constant 0 : i32
    return %c0_i32, %c0_i32_0 : i32, i32
  }
  func.func @transform_2(%arg0: i32) -> (i32, i32) {
    %c0_i32 = arith.constant 0 : i32
    %c0_i32_0 = arith.constant 0 : i32
    %c0_i32_1 = arith.constant 0 : i32
    return %c0_i32, %c0_i32_0 : i32, i32
  }
  func.func @transform_3(%arg0: i32) -> (i32, i32) {
    %c0_i32 = arith.constant 0 : i32
    %c0_i32_0 = arith.constant 0 : i32
    %c0_i32_1 = arith.constant 0 : i32
    return %c0_i32, %c0_i32_0 : i32, i32
  }
  func.func @transform_4(%arg0: i32) -> (i32, i32) {
    %c0_i32 = arith.constant 0 : i32
    %c0_i32_0 = arith.constant 0 : i32
    %c0_i32_1 = arith.constant 0 : i32
    return %c0_i32, %c0_i32_0 : i32, i32
  }
  func.func @transform_5(%arg0: i32) -> (i32, i32) {
    %c0_i32 = arith.constant 0 : i32
    %c0_i32_0 = arith.constant 0 : i32
    %c0_i32_1 = arith.constant 0 : i32
    return %c0_i32, %c0_i32_0 : i32, i32
  }
  func.func @transform_6(%arg0: i32) -> (i32, i32) {
    %c0_i32 = arith.constant 0 : i32
    %c0_i32_0 = arith.constant 0 : i32
    return %arg0, %c0_i32 : i32, i32
  }
  func.func @transform_7(%arg0: i32) -> (i32, i32) {
    %c0_i32 = arith.constant 0 : i32
    %c0_i32_0 = arith.constant 0 : i32
    return %arg0, %c0_i32 : i32, i32
  }
}

</mosaic_0001>

<sc_bundles>
// kernel: kernel.5.cloned.1.call-start
scs
__scs_entry_jumppad:
0x0: {  	(pc) =	sbr.rel $0x88, $3  }
0x1: {  	(tag) =	ssettag $0x0;
	lr =	simm.s32 $0x1  }
0x2: {  	[smem:$0x3F97] =	sst lr;
	_ =	strace $0xD0000000  }
0x3: {  	_ = 	snop  }
0x4: {  	_ = 	snop  }
0x5: {  	_ = 	snop  }
0x6: {  	_ = 	snop  }
0x7: {  	_ = 	snop  }
__scs_overlays_trampoline_lowered:
0x8: {  	[smem:$0x3FA6] =	sst s0  }
0x9: {  	[smem:$0x3FA7] =	sst s1  }
0xa: {  	[smem:$0x3FA8] =	sst s2  }
0xb: {  	[smem:$0x3FA9] =	sst s3  }
0xc: {  	[smem:$0x3FAA] =	sst s4  }
0xd: {  	[smem:$0x3FAB] =	sst s5  }
0xe: {  	[smem:$0x3FAC] =	sst s6  }
0xf: {  	[smem:$0x3FAD] =	sst s7  }
0x10: {  	[smem:$0x3FAE] =	sst s8  }
0x11: {  	[smem:$0x3FAF] =	sst s9;
	s0 =	simm.s32 @!p0 $0x0  }
0x12: {  	s1 =	sld [smem:$0x3F95];
	s0 =	simm.s32 @p0 $0x1  }
0x13: {  	[smem:$0x3FB0] =	sst s0;
	s0 =	simm.s32 @!p1 $0x0  }
0x14: {  	s2 =	sld [smem:$0x3F94];
	s0 =	simm.s32 @p1 $0x1  }
0x15: {  	[smem:$0x3FB1] =	sst s0;
	s0 =	simm.s32 @!p2 $0x0  }
0x16: {  	s3 =	sld [smem:$0x3FDB];
	s0 =	simm.s32 @p2 $0x1  }
0x17: {  	s4 =	simm.s32 $0x1BF5;
	[smem:$0x3FB3] =	sst s0  }
0x18: {  	s0 =	sld [smem:$0x3F96];
	_ =	swait.ge [sflag:s4], $0x0  }
0x19: {  	s7 =	sld [smem:$0x3F97]  }
0x1a: {  	s8 =	sadd.s32 $0xFFFFE003, lr  }
0x1b: {  	s9 =	sadd.s32 $0xFFFFFEF7, lr;
	s5 =	simm.s32 $0xFFFFFFFF;
	p2 =	slt.u32 s8, $0xFFFFF086  }
0x1c: {  	p1 =	slt.u32 s9, $0xF7A;
	s5 =	simm.s32 @!p2 $0x0  }
0x1d: {  	s5 =	simm.s32 @p1 $0x1;
	p0 =	seq.s32 s7, s2  }
0x1e: {  	s7 =	smul.u32 @!p0 $0xF7A, s2;
	p2 =	seq.s32 @!p0 s5, $0x0  }
0x1f: {  	s9 =	smul.u32 $0xF7A, s1;
	s8 =	simm.s32 @!p0 $0x1BF5;
	p2 =	por !p2, p0  }
0x20: {  	[sflag:s8] =	ssyncset.s32 @!p0 $0xFFFFF086;
	s6 =	sadd.s32 @!p0 s3, s7;
	s7 =	simm.s32 @!p0 $0x108  }
0x21: {  	s3 =	sadd.s32 s3, s9;
	s6 =	sadd.s32 @!p0 $0x88, s6;
	s7 =	simm.s32 @p2 $0x1082  }
0x22: {  	[simem:s7], [sflag:s8] =	dma.local @!p0 [hbm:s6], $0xF7A  }
0x23: {  	s9 =	sor.u32 $0xD0000000, s2;
	s6 =	simm.s32 $0x108;
	_ =	swait.ge @!p0 [sflag:s8], $0x0  }
0x24: {  	s3 =	sadd.s32 $0x88, s3;
	s6 =	simm.s32 @!p1 $0x1082;
	[sflag:s4] =	ssyncset.s32 $0xFFFFF086  }
0x25: {  	[simem:s6], [sflag:s4] =	dma.local [hbm:s3], $0xF7A  }
0x26: {  	[smem:$0x3F97] =	sst s1;
	(tag) =	ssettag s2;
	_ =	strace s9  }
0x27: {  	s1 =	sld [smem:$0x3FA7]  }
0x28: {  	s2 =	sld [smem:$0x3FA8]  }
0x29: {  	s4 =	sld [smem:$0x3FAA]  }
0x2a: {  	p0 =	seq.s32 s5, $0x0;
	s5 =	sld [smem:$0x3FAB]  }
0x2b: {  	s6 =	sld [smem:$0x3FAC]  }
0x2c: {  	s7 =	sld [smem:$0x3FAD]  }
0x2d: {  	s3 =	simm.s32 $0x108;
	s8 =	sld [smem:$0x3FAE]  }
0x2e: {  	s3 =	simm.s32 @!p0 $0x1082;
	s9 =	sld [smem:$0x3FAF]  }
0x2f: {  	lr =	sadd.s32 s0, s3;
	s0 =	sld [smem:$0x3FA6]  }
0x30: {  	s3 =	sld [smem:$0x3FA9]  }
0x31: {  	[smem:$0x3FB2] =	sst s10  }
0x32: {  	s10 =	sld [smem:$0x3FB0];
	_ =	sdelay $0x3  }
0x33: {  	p0 =	seq.s32 s10, $0x1;
	s10 =	sld [smem:$0x3FB2];
	_ =	sdelay $0x3  }
0x34: {  	[smem:$0x3FB2] =	sst s10  }
0x35: {  	s10 =	sld [smem:$0x3FB1];
	_ =	sdelay $0x3  }
0x36: {  	p1 =	seq.s32 s10, $0x1;
	s10 =	sld [smem:$0x3FB2];
	_ =	sdelay $0x3  }
0x37: {  	[smem:$0x3FB2] =	sst s10  }
0x38: {  	s10 =	sld [smem:$0x3FB3]  }
0x39: {  	_ = 	snop;
	(pc) =	sbr.ind lr, $3  }
0x3a: {  	_ = 	snop  }
0x3b: {  	_ = 	snop  }
0x3c: {  	p2 =	seq.s32 s10, $0x1;
	s10 =	sld [smem:$0x3FB2]  }
0x3d: {  	_ =	shalt  }
0x3e: {  	_ =	shalt  }
0x3f: {  	_ =	shalt  }
0x40: {  	_ =	shalt  }
0x41: {  	_ =	shalt  }
0x42: {  	_ =	shalt  }
0x43: {  	_ =	shalt  }
0x44: {  	_ =	shalt  }
0x45: {  	_ =	shalt  }
0x46: {  	_ =	shalt  }
0x47: {  	_ =	shalt  }
0x48: {  	_ =	shalt  }
0x49: {  	_ =	shalt  }
0x4a: {  	_ =	shalt  }
0x4b: {  	_ =	shalt  }
0x4c: {  	_ =	shalt  }
0x4d: {  	_ =	shalt  }
0x4e: {  	_ =	shalt  }
0x4f: {  	_ =	shalt  }
0x50: {  	_ =	shalt  }
0x51: {  	_ =	shalt  }
0x52: {  	_ =	shalt  }
0x53: {  	_ =	shalt  }
0x54: {  	_ =	shalt  }
0x55: {  	_ =	shalt  }
0x56: {  	_ =	shalt  }
0x57: {  	_ =	shalt  }
0x58: {  	_ =	shalt  }
0x59: {  	_ =	shalt  }
0x5a: {  	_ =	shalt  }
0x5b: {  	_ =	shalt  }
0x5c: {  	_ =	shalt  }
0x5d: {  	_ =	shalt  }
0x5e: {  	_ =	shalt  }
0x5f: {  	_ =	shalt  }
0x60: {  	_ =	shalt  }
0x61: {  	_ =	shalt  }
0x62: {  	_ =	shalt  }
0x63: {  	_ =	shalt  }
0x64: {  	_ =	shalt  }
0x65: {  	_ =	shalt  }
0x66: {  	_ =	shalt  }
0x67: {  	_ =	shalt  }
0x68: {  	_ =	shalt  }
0x69: {  	_ =	shalt  }
0x6a: {  	_ =	shalt  }
0x6b: {  	_ =	shalt  }
0x6c: {  	_ =	shalt  }
0x6d: {  	_ =	shalt  }
0x6e: {  	_ =	shalt  }
0x6f: {  	_ =	shalt  }
0x70: {  	_ =	shalt  }
0x71: {  	_ =	shalt  }
0x72: {  	_ =	shalt  }
0x73: {  	_ =	shalt  }
0x74: {  	_ =	shalt  }
0x75: {  	_ =	shalt  }
0x76: {  	_ =	shalt  }
0x77: {  	_ =	shalt  }
0x78: {  	_ =	shalt  }
0x79: {  	_ =	shalt  }
0x7a: {  	_ =	shalt  }
0x7b: {  	_ =	shalt  }
0x7c: {  	_ =	shalt  }
0x7d: {  	_ =	shalt  }
0x7e: {  	_ =	shalt  }
0x7f: {  	_ =	shalt  }
0x80: {  	_ =	shalt  }
0x81: {  	_ =	shalt  }
0x82: {  	_ =	shalt  }
0x83: {  	_ =	shalt  }
0x84: {  	_ =	shalt  }
0x85: {  	_ =	shalt  }
0x86: {  	_ =	shalt  }
0x87: {  	_ =	shalt  }
.Lfunc_end0:
.L_simem_size_0:
called_computation_lowered:
.L_overlay_start_0:
0x88: {  	s2 =	sld [smem:$0x3FD9]  }
0x89: {  	s3 =	sld [smem:$0x3FFE];
	_ =	sdelay $0x1  }
0x8a: {  	s1 =	srdreg.scid  }
0x8b: {  	s0 =	sand.u32 $0x1, s1  }
0x8c: {  	s15 =	sshll.u32 s0, $0xA;
	s2 =	sadd.s32 s3, s2  }
0x8d: {  	s2 =	sadd.s32 s2, s15  }
0x8e: {  	[smem:$0x3FBE] =	sst s2  }
0x8f: {  	_ = 	snop  }
0x90: {  	s2 =	sld [smem:$0x3FD0];
	_ =	sdelay $0x2  }
0x91: {  	s4 =	simm.s32 $0xA;
	s5 =	simm.s32 $0x10;
	s16 =	sld [smem:$0x3FC4]  }
0x92: {  	[smem:s5], [sflag:s4] =	dma.local [hbm:s2], $0x1  }
0x93: {  	_ =	swait.eq [sflag:s4], $0x1  }
0x94: {  	[sflag:s4] =	ssyncset.done $0x0  }
0x95: {  	s17 =	sld [smem:$0x11];
	[sflag:s4] =	ssyncadd.s32 $0xFFFFFFFF  }
0x96: {  	s18 =	sld [smem:$0x12];
	(tm) =	ssettm $0x1  }
0x97: {  	s19 =	sld [smem:$0x3FFB];
	_ =	sdelay $0x3  }
0x98: {  	_ =	strace s19  }
0x99: {  	s5 =	sld [smem:$0x3FFC];
	_ =	sdelay $0x3  }
0x9a: {  	_ =	strace s5  }
0x9b: {  	s5 =	sld [smem:$0x3FFD];
	_ =	sdelay $0x3  }
0x9c: {  	_ =	strace s5  }
0x9d: {  	_ =	strace $0x8FFFFFFF  }
0x9e: {  	s20 =	sld [smem:$0x3FDB];
	_ =	sdelay $0x1  }
0x9f: {  	s6 =	simm.s32 $_scs_section_size  }
0xa0: {  	s7 =	simm.s32 $_size__tile_overlayer_lowered;
	s8 =	simm.s32 $_tile_overlayer_lowered  }
0xa1: {  	s23 =	simm.s32 $0x1BFF;
	s22 =	sshll.u32 s8, $0x1;
	s5 =	sadd.s32 s6, s20  }
0xa2: {  	s9 =	simm.s32 $0x0;
	s21 =	sshll.u32 s7, $0x1;
	s7 =	sadd.s32 s22, s5  }
0xa3: {  	[timem:s9], [sflag:s23] =	dma.local [hbm:s7], s21  }
0xa4: {  	_ =	swait.ge [sflag:s23], s21  }
0xa5: {  	s6 =	ssub.s32 $0x0, s21;
	[sflag:s23] =	ssyncset.done $0x0  }
0xa6: {  	[sflag:s23] =	ssyncadd.s32 s6;
	_ =	sdelay $0x1  }
0xa7: {  	s24 =	simm.s32 $0x1B8B  }
0xa8: {  	_ =	swait.ge [sflag:s24], $0x1  }
0xa9: {  	[sflag:s24] =	ssyncset.done $0x0  }
0xaa: {  	s25 =	simm.s32 $0x1B8E;
	[sflag:s24] =	ssyncadd.s32 $0xFFFFFFFF  }
0xab: {  	s26 =	simm.s32 $execute0_lowered;
	[smem:$0x3FD2] =	sst s25  }
0xac: {  	s6 =	sshll.u32 s26, $0x1;
	_ =	strace $0x80000046;
	[dreg:$0x1] =	wrdreg $0xFFFFFFFF  }
0xad: {  	s28 =	simm.s32 $_size_execute0_lowered;
	s5 =	sadd.s32 s5, s6;
	[dreg:$0x0] =	wrdreg $0x0  }
0xae: {  	s6 =	sshll.u32 s28, $0x1;
	[dreg:$0x2] =	wrdreg s5  }
0xaf: {  	[dreg:$0x3] =	wrdreg s6  }
0xb0: {  	[dreg:$0x4] =	wrdreg $0xC0  }
0xb1: {  	_ =	task [dreg:s9], $0x5FFFF  }
0xb2: {  	[dreg:$0x1] =	wrdreg $0xFFFFFFFF  }
0xb3: {  	[dreg:$0x0] =	wrdreg $0x60  }
0xb4: {  	[dreg:$0x2] =	wrdreg s16  }
0xb5: {  	[dreg:$0x3] =	wrdreg s18  }
0xb6: {  	[dreg:$0x4] =	wrdreg s17  }
0xb7: {  	[dreg:$0x5] =	wrdreg $0x9  }
0xb8: {  	_ =	task.clear_ibuf [dreg:s9], $0x6FFFF;
	_ =	strace $0x90000046  }
0xb9: {  	s29 =	simm.s32 $0x9;
	_ =	strace $0x80000048  }
0xba: {  	_ =	swait.ge [sflag:s29], $0x1  }
0xbb: {  	[sflag:s29] =	ssyncadd.s32 $0xFFFFFFFF  }
0xbc: {  	_ =	strace $0x90000048  }
0xbd: {  	_ =	sfence  }
0xbe: {  	s30 =	sld [smem:$0x0];
	_ =	sdelay $0x2  }
0xbf: {  	s31 =	sshll.u32 s1, $0xD;
	s1 =	sshrl.u32 s1, $0x2  }
0xc0: {  	s3 =	sand.u32 $0x4000, s31;
	s1 =	sadd.s32 s1, s30  }
0xc1: {  	s0 =	sor.u32 s3, s0;
	s1 =	sshll.u32 s1, $0x11  }
0xc2: {  	s0 =	sor.u32 s1, s0  }
0xc3: {  	s0 =	sadd.s32 $0x8F2B, s0  }
0xc4: {  	[sflag:s0] =	ssyncadd.remote.s32 $0x1  }
0xc5: {  	_ =	sfence.sel $0xFFFF  }
0xc6: {  	[dreg:$0x0] =	wrdreg $0xFFFFFFFF;
	(pc) =	sbr.abs _section_cstart, $3  }
0xc7: {  	[dreg:$0x1] =	wrdreg $0xFFFFFFFF  }
0xc8: {  	_ =	task.clear_ibuf [dreg:s9], $0x2FFFF;
	_ =	strace $0x9FFFFFFF  }
0xc9: {  	(tm) =	ssettm $0x7FFFFFFF  }
tec
execute0_lowered:
.L_overlay_start_1:
0x0: {  	(tag) =	ssettag $0x1  }
0x1: {  	s1 =	rddreg [dreg:$0x0]  }
0x2: {  	s2 =	srdreg.scid;
	s4 =	rddreg [dreg:$0x1]  }
0x3: {  	s0 =	stileid.u32;
	s5 =	rddreg [dreg:$0x2]  }
0x4: {  	s3 =	simm.s32 $0x0;
	s19 =	simm.s32 $0x900;
	s20 =	simm.s32 $0x1100  }
0x5: {  	s21 =	simm.s32 $0x1900;
	s23 =	simm.s32 $0x2100;
	s24 =	simm.s32 $0x2900  }
0x6: {  	s25 =	simm.s32 $0x3100;
	s26 =	simm.s32 $0x3900;
	s8 =	simm.s32 $0x4900  }
0x7: {  	s9 =	simm.s32 $0x5100;
	s10 =	simm.s32 $0x5900;
	s11 =	simm.s32 $0x6100  }
0x8: {  	s12 =	simm.s32 $0x6900;
	s13 =	simm.s32 $0x7100;
	[smem:$0x7FF] =	sst s3  }
0x9: {  	s14 =	simm.s32 $0x7900;
	_ =	strace $0x80000047;
	[dreg:$0x6] =	wrdreg s19  }
0xa: {  	s15 =	simm.s32 $0x8100;
	s16 =	simm.s32 $0x8900;
	[dreg:$0x7] =	wrdreg s20  }
0xb: {  	s17 =	simm.s32 $0x9100;
	s28 =	simm.s32 $0xE100;
	[dreg:$0x8] =	wrdreg s21  }
0xc: {  	s29 =	simm.s32 $0xE900;
	s30 =	simm.s32 $0xF100;
	[dreg:$0x9] =	wrdreg s23  }
0xd: {  	s31 =	simm.s32 $0xF900;
	s2 =	sand.u32 $0x1, s2;
	[dreg:$0xa] =	wrdreg s24  }
0xe: {  	s6 =	sshll.u32 s0, $0x9;
	s7 =	sshll.u32 s2, $0x8;
	[dreg:$0xb] =	wrdreg s25  }
0xf: {  	s2 =	ssub.s32 $0x2, s2;
	[dreg:$0xc] =	wrdreg s26;
	s19 =	simm.s32 $0xA100  }
0x10: {  	s20 =	simm.s32 $0xA900;
	s21 =	simm.s32 $0xB100;
	s23 =	simm.s32 $0xC100  }
0x11: {  	s24 =	simm.s32 $0xC900;
	s25 =	simm.s32 $0xD100;
	s6 =	sor.u32 s7, s6  }
0x12: {  	s26 =	simm.s32 $0xD900;
	s22 =	sshrl.u32 s2, $0x1;
	s7 =	sshrl.u32 s6, $0x3  }
0x13: {  	s6 =	sshll.u32 s6, $0x5;
	s2 =	ssub.s32 s2, s22;
	s4 =	sadd.s32 s4, s7  }
0x14: {  	v2 =	vlaneseq.u32;
	s22 =	simm.s32 $0xB900;
	s18 =	sadd.s32 s5, s6;
	[dreg:$0x4] =	wrdreg s4  }
0x15: {  	vm0 =	vmmov $0xffff;
	v1 =	vshrl.u32 v2, $0x3;
	s5 =	simm.s32 $0x2;
	s6 =	simm.s32 $0x100;
	[dreg:$0x5] =	wrdreg s18  }
0x16: {  	v0 =	vand.u32 $0x7, v2;
	v2 =	vor.u32 $0x8, v2;
	v1 =	vmul.u32 $0x8, v1;
	s4 =	smax.u32 s2, $0x1;
	s18 =	simm.s32 $0x9900;
	s2 =	simm.s32 $0x1  }
.LBB2_1:
0x17: {  	s0 =	rddreg [dreg:$0x4]  }
0x18: {  	[tilespmem:s3], [sflag:$0x2] =	stream.linear.gather [hbm4b:s0+s3], $0x100, $0x38;
	[tilespmem:$0x10100] =	vst v63  }
0x19: {  	_ =	swait.ge [sflag:s5], $0x100  }
0x1a: {  	[sflag:s5] =	ssyncset.done $0x0  }
0x1b: {  	[sflag:s5] =	ssyncadd.s32 $0xFFFFFF00  }
0x1c: {  	v3 =	vld [tilespmem:$0x0];
	_ =	sdelay $0x4  }
0x1d: {  	v4 =	vshll.u32 v3, $0x1  }
0x1e: {  	v3 =	vand.u32 $0x7, v3;
	v4 =	vand.u32 $0xFFFFFFF0, v4  }
0x1f: {  	v3 =	vor.u32 v3, v4  }
0x20: {  	v4 =	vperm.xlane v3, v0;
	_ =	sdelay $0x1  }
0x21: {  	v3 =	vperm.xlane v3, v2;
	v4 =	vadd.s32 v1, v4;
	_ =	sdelay $0x1  }
0x22: {  	v3 =	vadd.s32 v1, v3;
	_ =	sdelay $0x2  }
0x23: {  	[tilespmem:s6], [sflag:$0x1] =	stream.indirect_vreg.gather [hbm4b:s1+s3], $0x80, v4, vm0, $0xb8;
	[tilespmem:$0x10100] =	vst v63  }
0x24: {  	s7 =	rddreg [dreg:$0x6]  }
0x25: {  	[tilespmem:s7], [sflag:$0x1] =	stream.indirect_vreg.gather [hbm4b:s1+s3], $0x80, v3, vm0, $0xb8;
	[tilespmem:$0x10100] =	vst v63  }
0x26: {  	v3 =	vld [tilespmem:$0x10];
	_ =	sdelay $0x4  }
0x27: {  	v49 =	vshll.u32 v3, $0x1  }
0x28: {  	v3 =	vand.u32 $0x7, v3;
	v4 =	vand.u32 $0xFFFFFFF0, v49  }
0x29: {  	v3 =	vor.u32 v3, v4  }
0x2a: {  	v4 =	vperm.xlane v3, v0;
	_ =	sdelay $0x1  }
0x2b: {  	v3 =	vperm.xlane v3, v2;
	v4 =	vadd.s32 v1, v4;
	_ =	sdelay $0x1  }
0x2c: {  	v3 =	vadd.s32 v1, v3;
	_ =	sdelay $0x1  }
0x2d: {  	s0 =	rddreg [dreg:$0x7]  }
0x2e: {  	[tilespmem:s0], [sflag:$0x1] =	stream.indirect_vreg.gather [hbm4b:s1+s3], $0x80, v4, vm0, $0xb8;
	[tilespmem:$0x10100] =	vst v63  }
0x2f: {  	s7 =	rddreg [dreg:$0x8]  }
0x30: {  	[tilespmem:s7], [sflag:$0x1] =	stream.indirect_vreg.gather [hbm4b:s1+s3], $0x80, v3, vm0, $0xb8;
	[tilespmem:$0x10100] =	vst v63  }
0x31: {  	v3 =	vld [tilespmem:$0x20];
	_ =	sdelay $0x4  }
0x32: {  	v50 =	vshll.u32 v3, $0x1  }
0x33: {  	v3 =	vand.u32 $0x7, v3;
	v4 =	vand.u32 $0xFFFFFFF0, v50  }
0x34: {  	v3 =	vor.u32 v3, v4  }
0x35: {  	v4 =	vperm.xlane v3, v0;
	_ =	sdelay $0x1  }
0x36: {  	v3 =	vperm.xlane v3, v2;
	v4 =	vadd.s32 v1, v4;
	_ =	sdelay $0x1  }
0x37: {  	v3 =	vadd.s32 v1, v3;
	_ =	sdelay $0x1  }
0x38: {  	s0 =	rddreg [dreg:$0x9]  }
0x39: {  	[tilespmem:s0], [sflag:$0x1] =	stream.indirect_vreg.gather [hbm4b:s1+s3], $0x80, v4, vm0, $0xb8;
	[tilespmem:$0x10100] =	vst v63  }
0x3a: {  	s7 =	rddreg [dreg:$0xa]  }
0x3b: {  	[tilespmem:s7], [sflag:$0x1] =	stream.indirect_vreg.gather [hbm4b:s1+s3], $0x80, v3, vm0, $0xb8;
	[tilespmem:$0x10100] =	vst v63  }
0x3c: {  	v3 =	vld [tilespmem:$0x30];
	_ =	sdelay $0x4  }
0x3d: {  	v51 =	vshll.u32 v3, $0x1  }
0x3e: {  	v3 =	vand.u32 $0x7, v3;
	v4 =	vand.u32 $0xFFFFFFF0, v51  }
0x3f: {  	v3 =	vor.u32 v3, v4  }
0x40: {  	v4 =	vperm.xlane v3, v0;
	_ =	sdelay $0x1  }
0x41: {  	v3 =	vperm.xlane v3, v2;
	v4 =	vadd.s32 v1, v4;
	_ =	sdelay $0x1  }
0x42: {  	v3 =	vadd.s32 v1, v3;
	_ =	sdelay $0x1  }
0x43: {  	s0 =	rddreg [dreg:$0xb]  }
0x44: {  	[tilespmem:s0], [sflag:$0x1] =	stream.indirect_vreg.gather [hbm4b:s1+s3], $0x80, v4, vm0, $0xb8;
	[tilespmem:$0x10100] =	vst v63  }
0x45: {  	s7 =	rddreg [dreg:$0xc]  }
0x46: {  	[tilespmem:s7], [sflag:$0x1] =	stream.indirect_vreg.gather [hbm4b:s1+s3], $0x80, v3, vm0, $0xb8;
	[tilespmem:$0x10100] =	vst v63  }
0x47: {  	v3 =	vld [tilespmem:$0x40];
	_ =	sdelay $0x4  }
0x48: {  	v52 =	vshll.u32 v3, $0x1  }
0x49: {  	v3 =	vand.u32 $0x7, v3;
	v4 =	vand.u32 $0xFFFFFFF0, v52  }
0x4a: {  	v3 =	vor.u32 v3, v4  }
0x4b: {  	v4 =	vperm.xlane v3, v0;
	_ =	sdelay $0x1  }
0x4c: {  	v3 =	vperm.xlane v3, v2;
	v4 =	vadd.s32 v1, v4;
	_ =	sdelay $0x1  }
0x4d: {  	v3 =	vadd.s32 v1, v3;
	_ =	sdelay $0x1  }
0x4e: {  	s7 =	simm.s32 $0x4100  }
0x4f: {  	[tilespmem:s7], [sflag:$0x1] =	stream.indirect_vreg.gather [hbm4b:s1+s3], $0x80, v4, vm0, $0xb8;
	[tilespmem:$0x10100] =	vst v63  }
0x50: {  	_ = 	snop  }
0x51: {  	[tilespmem:s8], [sflag:$0x1] =	stream.indirect_vreg.gather [hbm4b:s1+s3], $0x80, v3, vm0, $0xb8;
	[tilespmem:$0x10100] =	vst v63  }
0x52: {  	v3 =	vld [tilespmem:$0x50];
	_ =	sdelay $0x4  }
0x53: {  	v53 =	vshll.u32 v3, $0x1  }
0x54: {  	v3 =	vand.u32 $0x7, v3;
	v4 =	vand.u32 $0xFFFFFFF0, v53  }
0x55: {  	v3 =	vor.u32 v3, v4  }
0x56: {  	v4 =	vperm.xlane v3, v0;
	_ =	sdelay $0x1  }
0x57: {  	v3 =	vperm.xlane v3, v2;
	v4 =	vadd.s32 v1, v4;
	_ =	sdelay $0x1  }
0x58: {  	v3 =	vadd.s32 v1, v3;
	_ =	sdelay $0x2  }
0x59: {  	[tilespmem:s9], [sflag:$0x1] =	stream.indirect_vreg.gather [hbm4b:s1+s3], $0x80, v4, vm0, $0xb8;
	[tilespmem:$0x10100] =	vst v63  }
0x5a: {  	_ = 	snop  }
0x5b: {  	[tilespmem:s10], [sflag:$0x1] =	stream.indirect_vreg.gather [hbm4b:s1+s3], $0x80, v3, vm0, $0xb8;
	[tilespmem:$0x10100] =	vst v63  }
0x5c: {  	v3 =	vld [tilespmem:$0x60];
	_ =	sdelay $0x4  }
0x5d: {  	v54 =	vshll.u32 v3, $0x1  }
0x5e: {  	v3 =	vand.u32 $0x7, v3;
	v4 =	vand.u32 $0xFFFFFFF0, v54  }
0x5f: {  	v3 =	vor.u32 v3, v4  }
0x60: {  	v4 =	vperm.xlane v3, v0;
	_ =	sdelay $0x1  }
0x61: {  	v3 =	vperm.xlane v3, v2;
	v4 =	vadd.s32 v1, v4;
	_ =	sdelay $0x1  }
0x62: {  	v3 =	vadd.s32 v1, v3;
	_ =	sdelay $0x2  }
0x63: {  	[tilespmem:s11], [sflag:$0x1] =	stream.indirect_vreg.gather [hbm4b:s1+s3], $0x80, v4, vm0, $0xb8;
	[tilespmem:$0x10100] =	vst v63  }
0x64: {  	_ = 	snop  }
0x65: {  	[tilespmem:s12], [sflag:$0x1] =	stream.indirect_vreg.gather [hbm4b:s1+s3], $0x80, v3, vm0, $0xb8;
	[tilespmem:$0x10100] =	vst v63  }
0x66: {  	v3 =	vld [tilespmem:$0x70];
	_ =	sdelay $0x4  }
0x67: {  	v55 =	vshll.u32 v3, $0x1  }
0x68: {  	v3 =	vand.u32 $0x7, v3;
	v4 =	vand.u32 $0xFFFFFFF0, v55  }
0x69: {  	v3 =	vor.u32 v3, v4  }
0x6a: {  	v4 =	vperm.xlane v3, v0;
	_ =	sdelay $0x1  }
0x6b: {  	v3 =	vperm.xlane v3, v2;
	v4 =	vadd.s32 v1, v4;
	_ =	sdelay $0x1  }
0x6c: {  	v3 =	vadd.s32 v1, v3;
	_ =	sdelay $0x2  }
0x6d: {  	[tilespmem:s13], [sflag:$0x1] =	stream.indirect_vreg.gather [hbm4b:s1+s3], $0x80, v4, vm0, $0xb8;
	[tilespmem:$0x10100] =	vst v63  }
0x6e: {  	_ = 	snop  }
0x6f: {  	[tilespmem:s14], [sflag:$0x1] =	stream.indirect_vreg.gather [hbm4b:s1+s3], $0x80, v3, vm0, $0xb8;
	[tilespmem:$0x10100] =	vst v63  }
0x70: {  	v3 =	vld [tilespmem:$0x80];
	_ =	sdelay $0x4  }
0x71: {  	v56 =	vshll.u32 v3, $0x1  }
0x72: {  	v3 =	vand.u32 $0x7, v3;
	v4 =	vand.u32 $0xFFFFFFF0, v56  }
0x73: {  	v3 =	vor.u32 v3, v4  }
0x74: {  	v4 =	vperm.xlane v3, v0;
	_ =	sdelay $0x1  }
0x75: {  	v3 =	vperm.xlane v3, v2;
	v4 =	vadd.s32 v1, v4;
	_ =	sdelay $0x1  }
0x76: {  	v3 =	vadd.s32 v1, v3;
	_ =	sdelay $0x2  }
0x77: {  	[tilespmem:s15], [sflag:$0x1] =	stream.indirect_vreg.gather [hbm4b:s1+s3], $0x80, v4, vm0, $0xb8;
	[tilespmem:$0x10100] =	vst v63  }
0x78: {  	_ = 	snop  }
0x79: {  	[tilespmem:s16], [sflag:$0x1] =	stream.indirect_vreg.gather [hbm4b:s1+s3], $0x80, v3, vm0, $0xb8;
	[tilespmem:$0x10100] =	vst v63  }
0x7a: {  	v3 =	vld [tilespmem:$0x90];
	_ =	sdelay $0x4  }
0x7b: {  	v57 =	vshll.u32 v3, $0x1  }
0x7c: {  	v3 =	vand.u32 $0x7, v3;
	v4 =	vand.u32 $0xFFFFFFF0, v57  }
0x7d: {  	v3 =	vor.u32 v3, v4  }
0x7e: {  	v4 =	vperm.xlane v3, v0;
	_ =	sdelay $0x1  }
0x7f: {  	v3 =	vperm.xlane v3, v2;
	v4 =	vadd.s32 v1, v4;
	_ =	sdelay $0x1  }
0x80: {  	v3 =	vadd.s32 v1, v3;
	_ =	sdelay $0x2  }
0x81: {  	[tilespmem:s17], [sflag:$0x1] =	stream.indirect_vreg.gather [hbm4b:s1+s3], $0x80, v4, vm0, $0xb8;
	[tilespmem:$0x10100] =	vst v63  }
0x82: {  	_ = 	snop  }
0x83: {  	[tilespmem:s18], [sflag:$0x1] =	stream.indirect_vreg.gather [hbm4b:s1+s3], $0x80, v3, vm0, $0xb8;
	[tilespmem:$0x10100] =	vst v63  }
0x84: {  	v3 =	vld [tilespmem:$0xA0];
	_ =	sdelay $0x4  }
0x85: {  	v58 =	vshll.u32 v3, $0x1  }
0x86: {  	v3 =	vand.u32 $0x7, v3;
	v4 =	vand.u32 $0xFFFFFFF0, v58  }
0x87: {  	v3 =	vor.u32 v3, v4  }
0x88: {  	v4 =	vperm.xlane v3, v0;
	_ =	sdelay $0x1  }
0x89: {  	v3 =	vperm.xlane v3, v2;
	v4 =	vadd.s32 v1, v4;
	_ =	sdelay $0x1  }
0x8a: {  	v3 =	vadd.s32 v1, v3;
	_ =	sdelay $0x2  }
0x8b: {  	[tilespmem:s19], [sflag:$0x1] =	stream.indirect_vreg.gather [hbm4b:s1+s3], $0x80, v4, vm0, $0xb8;
	[tilespmem:$0x10100] =	vst v63  }
0x8c: {  	_ = 	snop  }
0x8d: {  	[tilespmem:s20], [sflag:$0x1] =	stream.indirect_vreg.gather [hbm4b:s1+s3], $0x80, v3, vm0, $0xb8;
	[tilespmem:$0x10100] =	vst v63  }
0x8e: {  	v3 =	vld [tilespmem:$0xB0];
	_ =	sdelay $0x4  }
0x8f: {  	v59 =	vshll.u32 v3, $0x1  }
0x90: {  	v3 =	vand.u32 $0x7, v3;
	v4 =	vand.u32 $0xFFFFFFF0, v59  }
0x91: {  	v3 =	vor.u32 v3, v4  }
0x92: {  	v4 =	vperm.xlane v3, v0;
	_ =	sdelay $0x1  }
0x93: {  	v3 =	vperm.xlane v3, v2;
	v4 =	vadd.s32 v1, v4;
	_ =	sdelay $0x1  }
0x94: {  	v3 =	vadd.s32 v1, v3;
	_ =	sdelay $0x2  }
0x95: {  	[tilespmem:s21], [sflag:$0x1] =	stream.indirect_vreg.gather [hbm4b:s1+s3], $0x80, v4, vm0, $0xb8;
	[tilespmem:$0x10100] =	vst v63  }
0x96: {  	_ = 	snop  }
0x97: {  	[tilespmem:s22], [sflag:$0x1] =	stream.indirect_vreg.gather [hbm4b:s1+s3], $0x80, v3, vm0, $0xb8;
	[tilespmem:$0x10100] =	vst v63  }
0x98: {  	v3 =	vld [tilespmem:$0xC0];
	_ =	sdelay $0x4  }
0x99: {  	v60 =	vshll.u32 v3, $0x1  }
0x9a: {  	v3 =	vand.u32 $0x7, v3;
	v4 =	vand.u32 $0xFFFFFFF0, v60  }
0x9b: {  	v3 =	vor.u32 v3, v4  }
0x9c: {  	v4 =	vperm.xlane v3, v0;
	_ =	sdelay $0x1  }
0x9d: {  	v3 =	vperm.xlane v3, v2;
	v4 =	vadd.s32 v1, v4;
	_ =	sdelay $0x1  }
0x9e: {  	v3 =	vadd.s32 v1, v3;
	_ =	sdelay $0x2  }
0x9f: {  	[tilespmem:s23], [sflag:$0x1] =	stream.indirect_vreg.gather [hbm4b:s1+s3], $0x80, v4, vm0, $0xb8;
	[tilespmem:$0x10100] =	vst v63  }
0xa0: {  	_ = 	snop  }
0xa1: {  	[tilespmem:s24], [sflag:$0x1] =	stream.indirect_vreg.gather [hbm4b:s1+s3], $0x80, v3, vm0, $0xb8;
	[tilespmem:$0x10100] =	vst v63  }
0xa2: {  	v3 =	vld [tilespmem:$0xD0];
	_ =	sdelay $0x4  }
0xa3: {  	v61 =	vshll.u32 v3, $0x1  }
0xa4: {  	v3 =	vand.u32 $0x7, v3;
	v4 =	vand.u32 $0xFFFFFFF0, v61  }
0xa5: {  	v3 =	vor.u32 v3, v4  }
0xa6: {  	v4 =	vperm.xlane v3, v0;
	_ =	sdelay $0x1  }
0xa7: {  	v3 =	vperm.xlane v3, v2;
	v4 =	vadd.s32 v1, v4;
	_ =	sdelay $0x1  }
0xa8: {  	v3 =	vadd.s32 v1, v3;
	_ =	sdelay $0x2  }
0xa9: {  	[tilespmem:s25], [sflag:$0x1] =	stream.indirect_vreg.gather [hbm4b:s1+s3], $0x80, v4, vm0, $0xb8;
	[tilespmem:$0x10100] =	vst v63  }
0xaa: {  	_ = 	snop  }
0xab: {  	[tilespmem:s26], [sflag:$0x1] =	stream.indirect_vreg.gather [hbm4b:s1+s3], $0x80, v3, vm0, $0xb8;
	[tilespmem:$0x10100] =	vst v63  }
0xac: {  	v3 =	vld [tilespmem:$0xE0];
	_ =	sdelay $0x4  }
0xad: {  	v62 =	vshll.u32 v3, $0x1  }
0xae: {  	v3 =	vand.u32 $0x7, v3;
	v4 =	vand.u32 $0xFFFFFFF0, v62  }
0xaf: {  	v3 =	vor.u32 v3, v4  }
0xb0: {  	v4 =	vperm.xlane v3, v0;
	_ =	sdelay $0x1  }
0xb1: {  	v3 =	vperm.xlane v3, v2;
	v4 =	vadd.s32 v1, v4;
	_ =	sdelay $0x1  }
0xb2: {  	v3 =	vadd.s32 v1, v3;
	_ =	sdelay $0x2  }
0xb3: {  	[tilespmem:s28], [sflag:$0x1] =	stream.indirect_vreg.gather [hbm4b:s1+s3], $0x80, v4, vm0, $0xb8;
	[tilespmem:$0x10100] =	vst v63  }
0xb4: {  	_ = 	snop  }
0xb5: {  	[tilespmem:s29], [sflag:$0x1] =	stream.indirect_vreg.gather [hbm4b:s1+s3], $0x80, v3, vm0, $0xb8;
	[tilespmem:$0x10100] =	vst v63  }
0xb6: {  	v3 =	vld [tilespmem:$0xF0];
	_ =	sdelay $0x4  }
0xb7: {  	v63 =	vshll.u32 v3, $0x1  }
0xb8: {  	v3 =	vand.u32 $0x7, v3;
	v4 =	vand.u32 $0xFFFFFFF0, v63  }
0xb9: {  	v3 =	vor.u32 v3, v4  }
0xba: {  	v4 =	vperm.xlane v3, v0;
	_ =	sdelay $0x1  }
0xbb: {  	v3 =	vperm.xlane v3, v2;
	v4 =	vadd.s32 v1, v4;
	_ =	sdelay $0x1  }
0xbc: {  	v3 =	vadd.s32 v1, v3;
	_ =	sdelay $0x2  }
0xbd: {  	[tilespmem:s30], [sflag:$0x1] =	stream.indirect_vreg.gather [hbm4b:s1+s3], $0x80, v4, vm0, $0xb8;
	[tilespmem:$0x10100] =	vst v63  }
0xbe: {  	_ = 	snop  }
0xbf: {  	[tilespmem:s31], [sflag:$0x1] =	stream.indirect_vreg.gather [hbm4b:s1+s3], $0x80, v3, vm0, $0xb8;
	[tilespmem:$0x10100] =	vst v63  }
0xc0: {  	_ =	swait.ge [sflag:s2], $0x10000  }
0xc1: {  	p0 =	sne.s32 s4, $0x1;
	[sflag:s2] =	ssyncset.done $0x0  }
.Ltmp0:
0xc2: {  	s7 =	rddreg [dreg:$0x5];
	[sflag:s2] =	ssyncadd.s32 $0xFFFF0000;
	(pc) =	sbr.rel @p0 .LBB2_1-.Ltmp0, $4  }
0xc3: {  	[hbm4b:s7+s3] =	stream.linear.scatter [tilespmem:s6], [sflag:$0x2], $0x10000, $0x38;
	[tilespmem:$0x10100] =	vst v63  }
0xc4: {  	_ =	swait.ge [sflag:s5], $0x10000  }
0xc5: {  	[sflag:s5] =	ssyncset.done $0x0  }
0xc6: {  	s4 =	sadd.s32 $0xFFFFFFFF, s4;
	[sflag:s5] =	ssyncadd.s32 $0xFFFF0000  }
0xc7: {  	_ =	sfence.sel $0x180000  }
0xc8: {  	[bflag:$0x0] =	sbarrier.arrive $0xFFFF  }
0xc9: {  	_ =	strace $0x90000047  }
0xca: {  	s0 =	stileid.u32;
	[bflag:$0x2] =	sbarrier.arrive $0xFFFF  }
0xcb: {  	p0 =	sne.s32 s0, $0x0;
	s0 =	rddreg [dreg:$0x3]  }
0xcc: {  	s0 =	sadd.s32 @!p0 $0x100000, s0  }
0xcd: {  	[sflag:s0] =	ssyncadd.tile.s32 @!p0 $0x1;
	_ =	shalt  }
.Lfunc_end2:
_tile_overlayer_lowered:
.L_overlay_start_2:
0xce: {  	(tag) =	ssettag $0x2  }
0xcf: {  	s0 =	rddreg [dreg:$0x0];
	s2 =	stileid.u32  }
0xd0: {  	s1 =	rddreg [dreg:$0x1];
	p0 =	sne.s32 s2, $0x0  }
0xd1: {  	s3 =	rddreg [dreg:$0x2];
	[bflag:$0x3] =	sbarrier.arrive $0xFFFF;
	s2 =	simm.s32 @!p0 $0x1C02  }
0xd2: {  	[timem:s3], [sflag:s2] =	dma.local @!p0 [hbm:s0], s1  }
0xd3: {  	s0 =	simm.s32 @!p0 $0x2  }
0xd4: {  	_ =	swait.ge @!p0 [sflag:s0], s1  }
0xd5: {  	s1 =	ssub.s32 @!p0 $0x0, s1;
	[sflag:s0] =	ssyncset.done @!p0 $0x0  }
0xd6: {  	[sflag:s0] =	ssyncadd.s32 @!p0 s1  }
0xd7: {  	[bflag:$0x3] =	sbarrier.arrive $0xFFFF  }
0xd8: {  	_ =	shalt  }

</sc_bundles>
